<compile_context>
chip_gen: v7x
topology: tpu7x:2x2x1
jax: 0.10.2.dev20260603
libtpu: 0.0.44.dev20260713+nightly
codegen_flags: <defaults>
</compile_context>

<pallas_src>
import functools
from typing import Any

import jax
import jax.numpy as jnp
from jax import lax
from jax.experimental import pallas as pl
from jax.experimental.pallas import tpu as pltpu
from jax.experimental.pallas import tpu_sc as plsc

EMBED_DIM = 768
FF_DIM = 3072
NUM_EXPERTS = 8
TOP_K = 2
CAPACITY_FACTOR = 2.0
LOAD_BALANCE_WEIGHT = 0.01
ROUTER_Z_WEIGHT = 0.001

BT = 512
BF = 768


def _sc_gather(table, idx, n_rows, d):
    info = plsc.get_sparse_core_info()
    nw = info.num_cores * info.num_subcores
    bpw = n_rows // nw
    nchunk = 2
    while (bpw // nchunk) * d * 4 * 2 > 440_000 or bpw % nchunk:
        nchunk += 2
    ch = bpw // nchunk
    mesh = plsc.VectorSubcoreMesh(core_axis_name="c", subcore_axis_name="s")

    @functools.partial(
        pl.kernel, mesh=mesh,
        out_type=jax.ShapeDtypeStruct((n_rows, d), jnp.float32),
        scratch_types=[
            pltpu.VMEM((bpw,), jnp.int32),
            pltpu.VMEM((ch, d), jnp.float32),
            pltpu.VMEM((ch, d), jnp.float32),
            pltpu.SemaphoreType.DMA,
            pltpu.SemaphoreType.DMA,
            pltpu.SemaphoreType.DMA,
            pltpu.SemaphoreType.DMA,
        ],
    )
    def gather_kernel(table_hbm, idx_hbm, out_hbm, idx_v, buf_a, buf_b,
                      gs_a, gs_b, ss_a, ss_b):
        wid = lax.axis_index("s") * info.num_cores + lax.axis_index("c")
        base = wid * bpw
        pltpu.sync_copy(idx_hbm.at[pl.ds(base, bpw)], idx_v)
        bufs = (buf_a, buf_b)
        gsems = (gs_a, gs_b)
        ssems = (ss_a, ss_b)
        g = [None] * nchunk
        s = [None] * nchunk
        for c in range(nchunk):
            p = c % 2
            if c >= 2:
                s[c - 2].wait()
            g[c] = pltpu.async_copy(
                table_hbm.at[idx_v.at[pl.ds(c * ch, ch)]], bufs[p], gsems[p])
            if c >= 1:
                g[c - 1].wait()
                s[c - 1] = pltpu.async_copy(
                    bufs[(c - 1) % 2],
                    out_hbm.at[pl.ds(base + (c - 1) * ch, ch)],
                    ssems[(c - 1) % 2])
        g[nchunk - 1].wait()
        s[nchunk - 1] = pltpu.async_copy(
            bufs[(nchunk - 1) % 2],
            out_hbm.at[pl.ds(base + (nchunk - 1) * ch, ch)],
            ssems[(nchunk - 1) % 2])
        if nchunk >= 2:
            s[nchunk - 2].wait()
        s[nchunk - 1].wait()

    return gather_kernel(table, idx)


def _ffn_body(bexp_ref, nb_ref, x_ref, wg_ref, wu_ref, wo_ref, y_ref):
    b = pl.program_id(0)
    j = pl.program_id(1)
    active = b < nb_ref[0]

    @pl.when(active)
    def _compute():
        xb = x_ref[:, :]
        wg = wg_ref[0]
        wu = wu_ref[0]
        wo = wo_ref[0]
        dn = (((1,), (1,)), ((), ()))
        g = jax.lax.dot_general(xb, wg, dn, preferred_element_type=jnp.float32)
        u = jax.lax.dot_general(xb, wu, dn, preferred_element_type=jnp.float32)
        h = (g * jax.nn.sigmoid(g)) * u
        yb = jax.lax.dot_general(h, wo, dn, preferred_element_type=jnp.float32)

        @pl.when(j == 0)
        def _():
            y_ref[:, :] = yb

        @pl.when(j > 0)
        def _():
            y_ref[:, :] = y_ref[:, :] + yb

    @pl.when(jnp.logical_not(active) & (j == 0))
    def _zero():
        y_ref[:, :] = jnp.zeros_like(y_ref)


def _grouped_ffn(xg, bexp, nb, wi_gate, wi_up, wo, gmax, nbmax):
    D = xg.shape[1]
    nf = FF_DIM // BF
    grid_spec = pltpu.PrefetchScalarGridSpec(
        num_scalar_prefetch=2,
        grid=(nbmax, nf),
        in_specs=[
            pl.BlockSpec((BT, D), lambda b, j, bexp, nb: (b, 0)),
            pl.BlockSpec((1, BF, D), lambda b, j, bexp, nb: (bexp[b], j, 0)),
            pl.BlockSpec((1, BF, D), lambda b, j, bexp, nb: (bexp[b], j, 0)),
            pl.BlockSpec((1, D, BF), lambda b, j, bexp, nb: (bexp[b], 0, j)),
        ],
        out_specs=pl.BlockSpec((BT, D), lambda b, j, bexp, nb: (b, 0)),
    )
    return pl.pallas_call(
        _ffn_body,
        grid_spec=grid_spec,
        out_shape=jax.ShapeDtypeStruct((gmax, D), jnp.float32),
    )(bexp, nb, xg, wi_gate, wi_up, wo)


def kernel(x, gate_w, wi_gate, wi_up, wo):
    B, S, D = x.shape
    T = B * S
    E = NUM_EXPERTS
    cap = max(int(T * TOP_K / E * CAPACITY_FACTOR), TOP_K)
    xf = x.reshape(T, D)

    logits = xf @ gate_w.T
    probs = jax.nn.softmax(logits, axis=-1)
    i0 = jnp.argmax(probs, axis=-1)
    p0 = jnp.max(probs, axis=-1)
    e_ids = jnp.arange(E, dtype=jnp.int32)
    masked = jnp.where(i0[:, None] == e_ids[None, :], -jnp.inf, probs)
    i1 = jnp.argmax(masked, axis=-1)
    p1 = jnp.max(masked, axis=-1)
    s = p0 + p1
    w0 = p0 / s
    w1 = p1 / s

    oh0 = (i0[:, None] == e_ids[None, :]).astype(jnp.int32)
    oh1 = (i1[:, None] == e_ids[None, :]).astype(jnp.int32)
    cum0 = jnp.cumsum(oh0, axis=0)
    cum1 = jnp.cumsum(oh1, axis=0)
    rank0 = jnp.sum(cum0 * oh0, axis=1)
    rank1 = jnp.sum(cum1 * oh1, axis=1)
    kept0 = rank0 <= cap
    kept1 = rank1 <= cap
    cnt0 = jnp.sum((cum0 <= cap) * oh0, axis=0)
    cnt1 = jnp.sum((cum1 <= cap) * oh1, axis=0)
    size = cnt0 + cnt1
    padded = ((size + BT - 1) // BT) * BT
    off = jnp.concatenate([jnp.zeros((1,), jnp.int32),
                           jnp.cumsum(padded)[:-1].astype(jnp.int32)])
    nb = jnp.sum(padded, dtype=jnp.int32) // BT

    gmax = T * TOP_K + E * BT
    nbmax = gmax // BT

    tarange = jnp.arange(T, dtype=jnp.int32)
    row0 = jnp.where(kept0, off[i0] + rank0 - 1, gmax)
    row1 = jnp.where(kept1, off[i1] + cnt0[i1] + rank1 - 1, gmax)
    tok_ids = jnp.zeros((gmax + 1,), jnp.int32)
    tok_ids = tok_ids.at[row0].set(tarange).at[row1].set(tarange)
    tok_ids = tok_ids[:gmax]

    blk_start = off // BT
    barange = jnp.arange(nbmax, dtype=jnp.int32)
    bexp = jnp.searchsorted(blk_start, barange, side='right').astype(jnp.int32) - 1
    last = jnp.maximum(nb - 1, 0)
    bexp = jnp.where(barange < nb, bexp, bexp[last])
    bexp = jnp.clip(bexp, 0, E - 1)

    xg = _sc_gather(xf, tok_ids, gmax, D)

    y = _grouped_ffn(xg, bexp, nb.reshape(1),
                     wi_gate, wi_up, wo, gmax, nbmax)

    r0 = jnp.where(kept0, row0, 0)
    r1 = jnp.where(kept1, row1, 0)
    w0k = jnp.where(kept0, w0, 0.0)
    w1k = jnp.where(kept1, w1, 0.0)
    out = y[r0] * w0k[:, None] + y[r1] * w1k[:, None]
    output = out.reshape(B, S, D)

    f = (oh0 + oh1).sum(axis=0).astype(jnp.float32) / (T * TOP_K)
    P = probs.mean(axis=0)
    load_balance_loss = E * jnp.sum(f * P)
    lse = jax.scipy.special.logsumexp(logits, axis=-1)
    z_loss = jnp.mean(jnp.square(lse))
    aux_loss = (LOAD_BALANCE_WEIGHT * load_balance_loss
                + ROUTER_Z_WEIGHT * z_loss)
    return (output, aux_loss)

# --- scband reference (transcript-rebuilt; emitter-appended) ---
"""Pipeline reference for scband-mo-e-32590211842316 (READ-ONLY COPY).

The authoritative reference and input builder live on the scoring server;
editing this copy changes nothing except your own understanding.
"""

import jax, jax.numpy as jnp
import numpy as np

EMBED_DIM = 768
FF_DIM = 3072
NUM_EXPERTS = 8
TOP_K = 2
CAPACITY_FACTOR = 2.0  # eval_capacity_factor (module assumed in eval mode; dropout=0)
LOAD_BALANCE_WEIGHT = 0.01
ROUTER_Z_WEIGHT = 0.001
BATCH = 1
SEQ = 2048


def setup_inputs(seed: int = 0) -> dict:
    key = jax.random.key(seed)
    ks = jax.random.split(key, 5)
    x = jax.random.normal(ks[0], (BATCH, SEQ, EMBED_DIM), dtype=jnp.float32)
    gate_w = jax.random.normal(ks[1], (NUM_EXPERTS, EMBED_DIM), dtype=jnp.float32) * 0.02
    wi_gate = jax.random.normal(ks[2], (NUM_EXPERTS, FF_DIM, EMBED_DIM), dtype=jnp.float32) * 0.02
    wi_up = jax.random.normal(ks[3], (NUM_EXPERTS, FF_DIM, EMBED_DIM), dtype=jnp.float32) * 0.02
    wo = jax.random.normal(ks[4], (NUM_EXPERTS, EMBED_DIM, FF_DIM), dtype=jnp.float32) * 0.02
    return {"x": x, "gate_w": gate_w, "wi_gate": wi_gate, "wi_up": wi_up, "wo": wo}


def reference(x, gate_w, wi_gate, wi_up, wo):
    B, S, D = x.shape
    T = B * S
    xf = x.reshape(T, D)
    router_logits = xf @ gate_w.T                      # [T, E]
    router_probs = jax.nn.softmax(router_logits, axis=-1)
    top_k_probs, top_k_indices = jax.lax.top_k(router_probs, TOP_K)
    top_k_probs = top_k_probs / jnp.sum(top_k_probs, axis=-1, keepdims=True)

    capacity = max(int(T * TOP_K / NUM_EXPERTS * CAPACITY_FACTOR), TOP_K)

    # Dense per-expert GeGLU FFN over all tokens (then masked combine)
    def expert_fn(wg_e, wu_e, wo_e):
        gate = jax.nn.silu(xf @ wg_e.T)
        up = xf @ wu_e.T
        return (gate * up) @ wo_e.T
    expert_out = jax.vmap(expert_fn)(wi_gate, wi_up, wo)  # [E, T, D]

    out = jnp.zeros_like(xf)
    e_ids = jnp.arange(NUM_EXPERTS)
    for k in range(TOP_K):
        onehot = (top_k_indices[:, k, None] == e_ids[None, :]).astype(jnp.float32)  # [T, E]
        cum = jnp.cumsum(onehot, axis=0)
        keep = onehot * (cum <= capacity).astype(jnp.float32)  # capacity truncation keeps first tokens
        w = top_k_probs[:, k, None] * keep                      # [T, E]
        out = out + jnp.einsum('te,etd->td', w, expert_out)
    output = out.reshape(B, S, D)

    # Auxiliary losses
    expert_mask = jax.nn.one_hot(top_k_indices, NUM_EXPERTS, dtype=jnp.float32).sum(axis=1)  # [T, E]
    f = expert_mask.sum(axis=0) / (T * TOP_K)
    P = router_probs.mean(axis=0)
    load_balance_loss = NUM_EXPERTS * jnp.sum(f * P)
    z_loss = jnp.mean(jnp.square(jax.scipy.special.logsumexp(router_logits, axis=-1)))
    aux_loss = LOAD_BALANCE_WEIGHT * load_balance_loss + ROUTER_Z_WEIGHT * z_loss
    return (output, aux_loss)

if __name__ == "__main__":
    import jax
    _d = setup_inputs()
    print(jax.jit(kernel)(*tuple(_d.values())))

</pallas_src>

<mosaic_0001>
#map = affine_map<(d0, d1) -> (0, 0)>
#map1 = affine_map<(d0, d1) -> (0)>
module attributes {stable_mosaic.version = 14 : i64} {
  func.func @gather_kernel(%arg0: i32, %arg1: i32, %arg2: memref<2048x768xf32, #tpu.memory_space<hbm>>, %arg3: memref<8192xi32, #tpu.memory_space<hbm>>, %arg4: memref<8192x768xf32, #tpu.memory_space<hbm>>, %arg5: memref<256xi32, #tpu.memory_space<vmem>>, %arg6: memref<64x768xf32, #tpu.memory_space<vmem>>, %arg7: memref<64x768xf32, #tpu.memory_space<vmem>>, %arg8: memref<!tpu.dma_semaphore, #tpu.memory_space<semaphore_mem>>, %arg9: memref<!tpu.dma_semaphore, #tpu.memory_space<semaphore_mem>>, %arg10: memref<!tpu.dma_semaphore, #tpu.memory_space<semaphore_mem>>, %arg11: memref<!tpu.dma_semaphore, #tpu.memory_space<semaphore_mem>>) attributes {dimension_semantics = [#tpu.dimension_semantics<core_parallel>, #tpu.dimension_semantics<subcore_parallel>], iteration_bounds = array<i64: 2, 16>, scalar_prefetch = 0 : i64, scratch_operands = 7 : i64, tpu.core_type = #tpu.core_type<sc_vector_subcore>, window_params = [{transform_indices = #map}, {transform_indices = #map1}, {transform_indices = #map}]} {
    %mul3A = arith.constant 2 : i32
    %mul3A_0 = arith.muli %arg1, %mul3A : i32
    %add3A = arith.addi %mul3A_0, %arg0 : i32
    %mul3A_1 = arith.constant 256 : i32
    %mul3A_2 = arith.muli %add3A, %mul3A_1 : i32
    "tpu.region"() ({
      %run_scoped3A = tpu.sem_alloc : memref<!tpu.dma_semaphore, #tpu.memory_space<semaphore_mem>>
      %dma_start3A_81 = tpu.memref_slice %arg3[%mul3A_2] : memref<8192xi32, #tpu.memory_space<hbm>> -> memref<256xi32, #tpu.memory_space<hbm>>
      %dma_start3A_82 = tpu.memref_slice %arg3[%mul3A_2] : memref<8192xi32, #tpu.memory_space<hbm>> -> memref<256xi32, #tpu.memory_space<hbm>>
      tpu.enqueue_dma source(%dma_start3A_82 : memref<256xi32, #tpu.memory_space<hbm>>) target(%arg5 : memref<256xi32, #tpu.memory_space<vmem>>) target_semaphore(%run_scoped3A : memref<!tpu.dma_semaphore, #tpu.memory_space<semaphore_mem>>)
      %dma_wait3A_83 = tpu.memref_slice %arg3[%mul3A_2] : memref<8192xi32, #tpu.memory_space<hbm>> -> memref<256xi32, #tpu.memory_space<hbm>>
      %dma_wait3A_84 = tpu.memref_slice %arg3[%mul3A_2] : memref<8192xi32, #tpu.memory_space<hbm>> -> memref<256xi32, #tpu.memory_space<hbm>>
      tpu.wait_dma2 semaphore(%run_scoped3A : memref<!tpu.dma_semaphore, #tpu.memory_space<semaphore_mem>>) src(%dma_wait3A_84 : memref<256xi32, #tpu.memory_space<hbm>>) dst(%arg5 : memref<256xi32, #tpu.memory_space<vmem>>)
      tpu.yield
    }) : () -> ()
    %dma_start3A = arith.constant 0 : i32
    %dma_start3A_3 = tpu.memref_slice %arg5[%dma_start3A] : memref<256xi32, #tpu.memory_space<vmem>> -> memref<64xi32, #tpu.memory_space<vmem>>
    %dma_start3A_4 = arith.constant 0 : i32
    %dma_start3A_5 = arith.constant 0 : i32
    %dma_start3A_6 = tpu.memref_slice %arg2[%dma_start3A_4, %dma_start3A_5] : memref<2048x768xf32, #tpu.memory_space<hbm>> -> memref<2048x768xf32, #tpu.memory_space<hbm>>
    tpu.enqueue_indirect_dma source(%dma_start3A_6 : memref<2048x768xf32, #tpu.memory_space<hbm>>) target(%arg6 : memref<64x768xf32, #tpu.memory_space<vmem>>) offsets(%dma_start3A_3 : memref<64xi32, #tpu.memory_space<vmem>>) semaphore(%arg8 : memref<!tpu.dma_semaphore, #tpu.memory_space<semaphore_mem>>)
    %dma_start3A_7 = arith.constant 64 : i32
    %dma_start3A_8 = tpu.memref_slice %arg5[%dma_start3A_7] : memref<256xi32, #tpu.memory_space<vmem>> -> memref<64xi32, #tpu.memory_space<vmem>>
    %dma_start3A_9 = arith.constant 0 : i32
    %dma_start3A_10 = arith.constant 0 : i32
    %dma_start3A_11 = tpu.memref_slice %arg2[%dma_start3A_9, %dma_start3A_10] : memref<2048x768xf32, #tpu.memory_space<hbm>> -> memref<2048x768xf32, #tpu.memory_space<hbm>>
    tpu.enqueue_indirect_dma source(%dma_start3A_11 : memref<2048x768xf32, #tpu.memory_space<hbm>>) target(%arg7 : memref<64x768xf32, #tpu.memory_space<vmem>>) offsets(%dma_start3A_8 : memref<64xi32, #tpu.memory_space<vmem>>) semaphore(%arg9 : memref<!tpu.dma_semaphore, #tpu.memory_space<semaphore_mem>>)
    %dma_wait3A = arith.constant 0 : i32
    %dma_wait3A_12 = tpu.memref_slice %arg5[%dma_wait3A] : memref<256xi32, #tpu.memory_space<vmem>> -> memref<64xi32, #tpu.memory_space<vmem>>
    %dma_wait3A_13 = arith.constant 0 : i32
    %dma_wait3A_14 = arith.constant 0 : i32
    %dma_wait3A_15 = tpu.memref_slice %arg2[%dma_wait3A_13, %dma_wait3A_14] : memref<2048x768xf32, #tpu.memory_space<hbm>> -> memref<2048x768xf32, #tpu.memory_space<hbm>>
    tpu.wait_indirect_dma semaphore(%arg8 : memref<!tpu.dma_semaphore, #tpu.memory_space<semaphore_mem>>) src(%dma_wait3A_15 : memref<2048x768xf32, #tpu.memory_space<hbm>>) dst(%arg6 : memref<64x768xf32, #tpu.memory_space<vmem>>)
    %add3A_16 = arith.constant 0 : i32
    %add3A_17 = arith.addi %mul3A_2, %add3A_16 : i32
    %dma_start3A_18 = arith.constant 0 : i32
    %dma_start3A_19 = tpu.memref_slice %arg4[%add3A_17, %dma_start3A_18] : memref<8192x768xf32, #tpu.memory_space<hbm>> -> memref<64x768xf32, #tpu.memory_space<hbm>>
    %dma_start3A_20 = arith.constant 0 : i32
    %dma_start3A_21 = tpu.memref_slice %arg4[%add3A_17, %dma_start3A_20] : memref<8192x768xf32, #tpu.memory_space<hbm>> -> memref<64x768xf32, #tpu.memory_space<hbm>>
    tpu.enqueue_dma source(%arg6 : memref<64x768xf32, #tpu.memory_space<vmem>>) target(%dma_start3A_21 : memref<64x768xf32, #tpu.memory_space<hbm>>) target_semaphore(%arg10 : memref<!tpu.dma_semaphore, #tpu.memory_space<semaphore_mem>>)
    %dma_wait3A_22 = arith.constant 0 : i32
    %dma_wait3A_23 = tpu.memref_slice %arg4[%add3A_17, %dma_wait3A_22] : memref<8192x768xf32, #tpu.memory_space<hbm>> -> memref<64x768xf32, #tpu.memory_space<hbm>>
    %dma_wait3A_24 = arith.constant 0 : i32
    %dma_wait3A_25 = tpu.memref_slice %arg4[%add3A_17, %dma_wait3A_24] : memref<8192x768xf32, #tpu.memory_space<hbm>> -> memref<64x768xf32, #tpu.memory_space<hbm>>
    tpu.wait_dma2 semaphore(%arg10 : memref<!tpu.dma_semaphore, #tpu.memory_space<semaphore_mem>>) src(%arg6 : memref<64x768xf32, #tpu.memory_space<vmem>>) dst(%dma_wait3A_25 : memref<64x768xf32, #tpu.memory_space<hbm>>)
    %dma_start3A_26 = arith.constant 128 : i32
    %dma_start3A_27 = tpu.memref_slice %arg5[%dma_start3A_26] : memref<256xi32, #tpu.memory_space<vmem>> -> memref<64xi32, #tpu.memory_space<vmem>>
    %dma_start3A_28 = arith.constant 0 : i32
    %dma_start3A_29 = arith.constant 0 : i32
    %dma_start3A_30 = tpu.memref_slice %arg2[%dma_start3A_28, %dma_start3A_29] : memref<2048x768xf32, #tpu.memory_space<hbm>> -> memref<2048x768xf32, #tpu.memory_space<hbm>>
    tpu.enqueue_indirect_dma source(%dma_start3A_30 : memref<2048x768xf32, #tpu.memory_space<hbm>>) target(%arg6 : memref<64x768xf32, #tpu.memory_space<vmem>>) offsets(%dma_start3A_27 : memref<64xi32, #tpu.memory_space<vmem>>) semaphore(%arg8 : memref<!tpu.dma_semaphore, #tpu.memory_space<semaphore_mem>>)
    %dma_wait3A_31 = arith.constant 64 : i32
    %dma_wait3A_32 = tpu.memref_slice %arg5[%dma_wait3A_31] : memref<256xi32, #tpu.memory_space<vmem>> -> memref<64xi32, #tpu.memory_space<vmem>>
    %dma_wait3A_33 = arith.constant 0 : i32
    %dma_wait3A_34 = arith.constant 0 : i32
    %dma_wait3A_35 = tpu.memref_slice %arg2[%dma_wait3A_33, %dma_wait3A_34] : memref<2048x768xf32, #tpu.memory_space<hbm>> -> memref<2048x768xf32, #tpu.memory_space<hbm>>
    tpu.wait_indirect_dma semaphore(%arg9 : memref<!tpu.dma_semaphore, #tpu.memory_space<semaphore_mem>>) src(%dma_wait3A_35 : memref<2048x768xf32, #tpu.memory_space<hbm>>) dst(%arg7 : memref<64x768xf32, #tpu.memory_space<vmem>>)
    %add3A_36 = arith.constant 64 : i32
    %add3A_37 = arith.addi %mul3A_2, %add3A_36 : i32
    %dma_start3A_38 = arith.constant 0 : i32
    %dma_start3A_39 = tpu.memref_slice %arg4[%add3A_37, %dma_start3A_38] : memref<8192x768xf32, #tpu.memory_space<hbm>> -> memref<64x768xf32, #tpu.memory_space<hbm>>
    %dma_start3A_40 = arith.constant 0 : i32
    %dma_start3A_41 = tpu.memref_slice %arg4[%add3A_37, %dma_start3A_40] : memref<8192x768xf32, #tpu.memory_space<hbm>> -> memref<64x768xf32, #tpu.memory_space<hbm>>
    tpu.enqueue_dma source(%arg7 : memref<64x768xf32, #tpu.memory_space<vmem>>) target(%dma_start3A_41 : memref<64x768xf32, #tpu.memory_space<hbm>>) target_semaphore(%arg11 : memref<!tpu.dma_semaphore, #tpu.memory_space<semaphore_mem>>)
    %dma_wait3A_42 = arith.constant 0 : i32
    %dma_wait3A_43 = tpu.memref_slice %arg4[%add3A_37, %dma_wait3A_42] : memref<8192x768xf32, #tpu.memory_space<hbm>> -> memref<64x768xf32, #tpu.memory_space<hbm>>
    %dma_wait3A_44 = arith.constant 0 : i32
    %dma_wait3A_45 = tpu.memref_slice %arg4[%add3A_37, %dma_wait3A_44] : memref<8192x768xf32, #tpu.memory_space<hbm>> -> memref<64x768xf32, #tpu.memory_space<hbm>>
    tpu.wait_dma2 semaphore(%arg11 : memref<!tpu.dma_semaphore, #tpu.memory_space<semaphore_mem>>) src(%arg7 : memref<64x768xf32, #tpu.memory_space<vmem>>) dst(%dma_wait3A_45 : memref<64x768xf32, #tpu.memory_space<hbm>>)
    %dma_start3A_46 = arith.constant 192 : i32
    %dma_start3A_47 = tpu.memref_slice %arg5[%dma_start3A_46] : memref<256xi32, #tpu.memory_space<vmem>> -> memref<64xi32, #tpu.memory_space<vmem>>
    %dma_start3A_48 = arith.constant 0 : i32
    %dma_start3A_49 = arith.constant 0 : i32
    %dma_start3A_50 = tpu.memref_slice %arg2[%dma_start3A_48, %dma_start3A_49] : memref<2048x768xf32, #tpu.memory_space<hbm>> -> memref<2048x768xf32, #tpu.memory_space<hbm>>
    tpu.enqueue_indirect_dma source(%dma_start3A_50 : memref<2048x768xf32, #tpu.memory_space<hbm>>) target(%arg7 : memref<64x768xf32, #tpu.memory_space<vmem>>) offsets(%dma_start3A_47 : memref<64xi32, #tpu.memory_space<vmem>>) semaphore(%arg9 : memref<!tpu.dma_semaphore, #tpu.memory_space<semaphore_mem>>)
    %dma_wait3A_51 = arith.constant 128 : i32
    %dma_wait3A_52 = tpu.memref_slice %arg5[%dma_wait3A_51] : memref<256xi32, #tpu.memory_space<vmem>> -> memref<64xi32, #tpu.memory_space<vmem>>
    %dma_wait3A_53 = arith.constant 0 : i32
    %dma_wait3A_54 = arith.constant 0 : i32
    %dma_wait3A_55 = tpu.memref_slice %arg2[%dma_wait3A_53, %dma_wait3A_54] : memref<2048x768xf32, #tpu.memory_space<hbm>> -> memref<2048x768xf32, #tpu.memory_space<hbm>>
    tpu.wait_indirect_dma semaphore(%arg8 : memref<!tpu.dma_semaphore, #tpu.memory_space<semaphore_mem>>) src(%dma_wait3A_55 : memref<2048x768xf32, #tpu.memory_space<hbm>>) dst(%arg6 : memref<64x768xf32, #tpu.memory_space<vmem>>)
    %add3A_56 = arith.constant 128 : i32
    %add3A_57 = arith.addi %mul3A_2, %add3A_56 : i32
    %dma_start3A_58 = arith.constant 0 : i32
    %dma_start3A_59 = tpu.memref_slice %arg4[%add3A_57, %dma_start3A_58] : memref<8192x768xf32, #tpu.memory_space<hbm>> -> memref<64x768xf32, #tpu.memory_space<hbm>>
    %dma_start3A_60 = arith.constant 0 : i32
    %dma_start3A_61 = tpu.memref_slice %arg4[%add3A_57, %dma_start3A_60] : memref<8192x768xf32, #tpu.memory_space<hbm>> -> memref<64x768xf32, #tpu.memory_space<hbm>>
    tpu.enqueue_dma source(%arg6 : memref<64x768xf32, #tpu.memory_space<vmem>>) target(%dma_start3A_61 : memref<64x768xf32, #tpu.memory_space<hbm>>) target_semaphore(%arg10 : memref<!tpu.dma_semaphore, #tpu.memory_space<semaphore_mem>>)
    %dma_wait3A_62 = arith.constant 192 : i32
    %dma_wait3A_63 = tpu.memref_slice %arg5[%dma_wait3A_62] : memref<256xi32, #tpu.memory_space<vmem>> -> memref<64xi32, #tpu.memory_space<vmem>>
    %dma_wait3A_64 = arith.constant 0 : i32
    %dma_wait3A_65 = arith.constant 0 : i32
    %dma_wait3A_66 = tpu.memref_slice %arg2[%dma_wait3A_64, %dma_wait3A_65] : memref<2048x768xf32, #tpu.memory_space<hbm>> -> memref<2048x768xf32, #tpu.memory_space<hbm>>
    tpu.wait_indirect_dma semaphore(%arg9 : memref<!tpu.dma_semaphore, #tpu.memory_space<semaphore_mem>>) src(%dma_wait3A_66 : memref<2048x768xf32, #tpu.memory_space<hbm>>) dst(%arg7 : memref<64x768xf32, #tpu.memory_space<vmem>>)
    %add3A_67 = arith.constant 192 : i32
    %add3A_68 = arith.addi %mul3A_2, %add3A_67 : i32
    %dma_start3A_69 = arith.constant 0 : i32
    %dma_start3A_70 = tpu.memref_slice %arg4[%add3A_68, %dma_start3A_69] : memref<8192x768xf32, #tpu.memory_space<hbm>> -> memref<64x768xf32, #tpu.memory_space<hbm>>
    %dma_start3A_71 = arith.constant 0 : i32
    %dma_start3A_72 = tpu.memref_slice %arg4[%add3A_68, %dma_start3A_71] : memref<8192x768xf32, #tpu.memory_space<hbm>> -> memref<64x768xf32, #tpu.memory_space<hbm>>
    tpu.enqueue_dma source(%arg7 : memref<64x768xf32, #tpu.memory_space<vmem>>) target(%dma_start3A_72 : memref<64x768xf32, #tpu.memory_space<hbm>>) target_semaphore(%arg11 : memref<!tpu.dma_semaphore, #tpu.memory_space<semaphore_mem>>)
    %dma_wait3A_73 = arith.constant 0 : i32
    %dma_wait3A_74 = tpu.memref_slice %arg4[%add3A_57, %dma_wait3A_73] : memref<8192x768xf32, #tpu.memory_space<hbm>> -> memref<64x768xf32, #tpu.memory_space<hbm>>
    %dma_wait3A_75 = arith.constant 0 : i32
    %dma_wait3A_76 = tpu.memref_slice %arg4[%add3A_57, %dma_wait3A_75] : memref<8192x768xf32, #tpu.memory_space<hbm>> -> memref<64x768xf32, #tpu.memory_space<hbm>>
    tpu.wait_dma2 semaphore(%arg10 : memref<!tpu.dma_semaphore, #tpu.memory_space<semaphore_mem>>) src(%arg6 : memref<64x768xf32, #tpu.memory_space<vmem>>) dst(%dma_wait3A_76 : memref<64x768xf32, #tpu.memory_space<hbm>>)
    %dma_wait3A_77 = arith.constant 0 : i32
    %dma_wait3A_78 = tpu.memref_slice %arg4[%add3A_68, %dma_wait3A_77] : memref<8192x768xf32, #tpu.memory_space<hbm>> -> memref<64x768xf32, #tpu.memory_space<hbm>>
    %dma_wait3A_79 = arith.constant 0 : i32
    %dma_wait3A_80 = tpu.memref_slice %arg4[%add3A_68, %dma_wait3A_79] : memref<8192x768xf32, #tpu.memory_space<hbm>> -> memref<64x768xf32, #tpu.memory_space<hbm>>
    tpu.wait_dma2 semaphore(%arg11 : memref<!tpu.dma_semaphore, #tpu.memory_space<semaphore_mem>>) src(%arg7 : memref<64x768xf32, #tpu.memory_space<vmem>>) dst(%dma_wait3A_80 : memref<64x768xf32, #tpu.memory_space<hbm>>)
    return
  }
}

module attributes {stable_mosaic.version = 14 : i64} {
  func.func @_ffn_body(%arg0: i32, %arg1: i32, %arg2: memref<16xi32, #tpu.memory_space<smem>>, %arg3: memref<1xi32, #tpu.memory_space<smem>>, %arg4: memref<512x768xf32, #tpu.memory_space<vmem>>, %arg5: memref<1x768x768xf32, #tpu.memory_space<vmem>>, %arg6: memref<1x768x768xf32, #tpu.memory_space<vmem>>, %arg7: memref<1x768x768xf32, #tpu.memory_space<vmem>>, %arg8: memref<512x768xf32, #tpu.memory_space<vmem>>) attributes {dimension_semantics = [#tpu.dimension_semantics<arbitrary>, #tpu.dimension_semantics<arbitrary>], iteration_bounds = array<i64: 16, 4>, scalar_prefetch = 2 : i64, scratch_operands = 0 : i64, tpu.core_type = #tpu.core_type<tc>, window_params = [{transform_indices = @transform_0, window_bounds = array<i64: 512, 768>}, {transform_indices = @transform_1, window_bounds = array<i64: 1, 768, 768>}, {transform_indices = @transform_2, window_bounds = array<i64: 1, 768, 768>}, {transform_indices = @transform_3, window_bounds = array<i64: 1, 768, 768>}, {transform_indices = @transform_4, window_bounds = array<i64: 512, 768>}]} {
    %get3A = arith.constant 0 : index
    %get3A_0 = memref.load %arg3[%get3A] : memref<1xi32, #tpu.memory_space<smem>>
    %lt3A = arith.cmpi slt, %arg0, %get3A_0 : i32
    %convert_element_type3A = arith.extui %lt3A : i1 to i32
    %cond3A = arith.constant 0 : i32
    %cond3A_1 = arith.cmpi ne, %convert_element_type3A, %cond3A : i32
    scf.if %cond3A_1 {
      %get3A_7 = arith.constant 0 : index
      %get3A_8 = arith.constant 0 : index
      %get3A_9 = vector.load %arg4[%get3A_7, %get3A_8] : memref<512x768xf32, #tpu.memory_space<vmem>>, vector<512x768xf32>
      %get3A_10 = arith.constant 0 : index
      %get3A_11 = arith.constant 0 : index
      %get3A_12 = arith.constant 0 : index
      %get3A_13 = vector.load %arg5[%get3A_10, %get3A_11, %get3A_12] : memref<1x768x768xf32, #tpu.memory_space<vmem>>, vector<1x768x768xf32>
      %get3A_14 = vector.shape_cast %get3A_13 : vector<1x768x768xf32> to vector<768x768xf32>
      %get3A_15 = arith.constant 0 : index
      %get3A_16 = arith.constant 0 : index
      %get3A_17 = arith.constant 0 : index
      %get3A_18 = vector.load %arg6[%get3A_15, %get3A_16, %get3A_17] : memref<1x768x768xf32, #tpu.memory_space<vmem>>, vector<1x768x768xf32>
      %get3A_19 = vector.shape_cast %get3A_18 : vector<1x768x768xf32> to vector<768x768xf32>
      %get3A_20 = arith.constant 0 : index
      %get3A_21 = arith.constant 0 : index
      %get3A_22 = arith.constant 0 : index
      %get3A_23 = vector.load %arg7[%get3A_20, %get3A_21, %get3A_22] : memref<1x768x768xf32, #tpu.memory_space<vmem>>, vector<1x768x768xf32>
      %get3A_24 = vector.shape_cast %get3A_23 : vector<1x768x768xf32> to vector<768x768xf32>
      %dot_general3A = arith.constant dense<0.000000e+00> : vector<512x768xf32>
      %dot_general3A_25 = tpu.matmul %get3A_9, %get3A_14, %dot_general3A {dimension_numbers = #tpu.dot_dimension_numbers<[1], [1], [0], [0], [0, 0, 1, 0], [], []>, transpose_lhs_hint = false} : vector<512x768xf32>, vector<768x768xf32>, vector<512x768xf32> -> vector<512x768xf32>
      %dot_general3A_26 = arith.constant dense<0.000000e+00> : vector<512x768xf32>
      %dot_general3A_27 = tpu.matmul %get3A_9, %get3A_19, %dot_general3A_26 {dimension_numbers = #tpu.dot_dimension_numbers<[1], [1], [0], [0], [0, 0, 1, 0], [], []>, transpose_lhs_hint = false} : vector<512x768xf32>, vector<768x768xf32>, vector<512x768xf32> -> vector<512x768xf32>
      %logistic3A = arith.negf %dot_general3A_25 : vector<512x768xf32>
      %logistic3A_28 = math.exp %logistic3A : vector<512x768xf32>
      %logistic3A_29 = arith.constant 1.000000e+00 : f32
      %logistic3A_30 = vector.broadcast %logistic3A_29 : f32 to vector<512x768xf32>
      %logistic3A_31 = arith.addf %logistic3A_30, %logistic3A_28 : vector<512x768xf32>
      %logistic3A_32 = arith.divf %logistic3A_30, %logistic3A_31 : vector<512x768xf32>
      %mul3A = arith.mulf %dot_general3A_25, %logistic3A_32 : vector<512x768xf32>
      %mul3A_33 = arith.mulf %mul3A, %dot_general3A_27 : vector<512x768xf32>
      %dot_general3A_34 = arith.constant dense<0.000000e+00> : vector<512x768xf32>
      %dot_general3A_35 = tpu.matmul %mul3A_33, %get3A_24, %dot_general3A_34 {dimension_numbers = #tpu.dot_dimension_numbers<[1], [1], [0], [0], [0, 0, 1, 0], [], []>, transpose_lhs_hint = false} : vector<512x768xf32>, vector<768x768xf32>, vector<512x768xf32> -> vector<512x768xf32>
      %eq3A_36 = arith.constant 0 : i32
      %eq3A_37 = arith.cmpi eq, %arg1, %eq3A_36 : i32
      %convert_element_type3A_38 = arith.extui %eq3A_37 : i1 to i32
      %cond3A_39 = arith.constant 0 : i32
      %cond3A_40 = arith.cmpi ne, %convert_element_type3A_38, %cond3A_39 : i32
      scf.if %cond3A_40 {
        %swap3A = arith.constant 0 : index
        %swap3A_45 = arith.constant 0 : index
        %swap3A_46 = vector.load %arg8[%swap3A, %swap3A_45] : memref<512x768xf32, #tpu.memory_space<vmem>>, vector<512x768xf32>
        tpu.vector_store %arg8[%swap3A, %swap3A_45], %dot_general3A_35 {strides = array<i32>} : memref<512x768xf32, #tpu.memory_space<vmem>>, vector<512x768xf32>,
      } else {
      }
      %gt3A = arith.constant 0 : i32
      %gt3A_41 = arith.cmpi sgt, %arg1, %gt3A : i32
      %convert_element_type3A_42 = arith.extui %gt3A_41 : i1 to i32
      %cond3A_43 = arith.constant 0 : i32
      %cond3A_44 = arith.cmpi ne, %convert_element_type3A_42, %cond3A_43 : i32
      scf.if %cond3A_44 {
        %get3A_45 = arith.constant 0 : index
        %get3A_46 = arith.constant 0 : index
        %get3A_47 = vector.load %arg8[%get3A_45, %get3A_46] : memref<512x768xf32, #tpu.memory_space<vmem>>, vector<512x768xf32>
        %add3A = arith.addf %get3A_47, %dot_general3A_35 : vector<512x768xf32>
        %swap3A = arith.constant 0 : index
        %swap3A_48 = arith.constant 0 : index
        %swap3A_49 = vector.load %arg8[%swap3A, %swap3A_48] : memref<512x768xf32, #tpu.memory_space<vmem>>, vector<512x768xf32>
        tpu.vector_store %arg8[%swap3A, %swap3A_48], %add3A {strides = array<i32>} : memref<512x768xf32, #tpu.memory_space<vmem>>, vector<512x768xf32>,
      } else {
      }
    } else {
    }
    %not3A = arith.constant true
    %not3A_2 = arith.xori %lt3A, %not3A : i1
    %eq3A = arith.constant 0 : i32
    %eq3A_3 = arith.cmpi eq, %arg1, %eq3A : i32
    %and3A = arith.andi %not3A_2, %eq3A_3 : i1
    %convert_element_type3A_4 = arith.extui %and3A : i1 to i32
    %cond3A_5 = arith.constant 0 : i32
    %cond3A_6 = arith.cmpi ne, %convert_element_type3A_4, %cond3A_5 : i32
    scf.if %cond3A_6 {
      %broadcast_in_dim3A = arith.constant 0.000000e+00 : f32
      %broadcast_in_dim3A_7 = vector.broadcast %broadcast_in_dim3A : f32 to vector<512x768xf32>
      %swap3A = arith.constant 0 : index
      %swap3A_8 = arith.constant 0 : index
      %swap3A_9 = vector.load %arg8[%swap3A, %swap3A_8] : memref<512x768xf32, #tpu.memory_space<vmem>>, vector<512x768xf32>
      tpu.vector_store %arg8[%swap3A, %swap3A_8], %broadcast_in_dim3A_7 {strides = array<i32>} : memref<512x768xf32, #tpu.memory_space<vmem>>, vector<512x768xf32>,
    } else {
    }
    return
  }
  func.func @transform_0(%arg0: i32, %arg1: i32, %arg2: memref<16xi32, #tpu.memory_space<smem>>, %arg3: memref<1xi32, #tpu.memory_space<smem>>) -> (i32, i32) {
    %c0_i32 = arith.constant 0 : i32
    %c0_i32_0 = arith.constant 0 : i32
    return %arg0, %c0_i32 : i32, i32
  }
  func.func @transform_1(%arg0: i32, %arg1: i32, %arg2: memref<16xi32, #tpu.memory_space<smem>>, %arg3: memref<1xi32, #tpu.memory_space<smem>>) -> (i32, i32, i32) {
    %get3A = arith.index_cast %arg0 : i32 to index
    %get3A_0 = memref.load %arg2[%get3A] : memref<16xi32, #tpu.memory_space<smem>>
    %c0_i32 = arith.constant 0 : i32
    %c0_i32_1 = arith.constant 0 : i32
    return %get3A_0, %arg1, %c0_i32 : i32, i32, i32
  }
  func.func @transform_2(%arg0: i32, %arg1: i32, %arg2: memref<16xi32, #tpu.memory_space<smem>>, %arg3: memref<1xi32, #tpu.memory_space<smem>>) -> (i32, i32, i32) {
    %get3A = arith.index_cast %arg0 : i32 to index
    %get3A_0 = memref.load %arg2[%get3A] : memref<16xi32, #tpu.memory_space<smem>>
    %c0_i32 = arith.constant 0 : i32
    %c0_i32_1 = arith.constant 0 : i32
    return %get3A_0, %arg1, %c0_i32 : i32, i32, i32
  }
  func.func @transform_3(%arg0: i32, %arg1: i32, %arg2: memref<16xi32, #tpu.memory_space<smem>>, %arg3: memref<1xi32, #tpu.memory_space<smem>>) -> (i32, i32, i32) {
    %get3A = arith.index_cast %arg0 : i32 to index
    %get3A_0 = memref.load %arg2[%get3A] : memref<16xi32, #tpu.memory_space<smem>>
    %c0_i32 = arith.constant 0 : i32
    %c0_i32_1 = arith.constant 0 : i32
    return %get3A_0, %c0_i32, %arg1 : i32, i32, i32
  }
  func.func @transform_4(%arg0: i32, %arg1: i32, %arg2: memref<16xi32, #tpu.memory_space<smem>>, %arg3: memref<1xi32, #tpu.memory_space<smem>>) -> (i32, i32) {
    %c0_i32 = arith.constant 0 : i32
    %c0_i32_0 = arith.constant 0 : i32
    return %arg0, %c0_i32 : i32, i32
  }
}

</mosaic_0001>

<sc_bundles>
// kernel: gather_offload_async_start.1
scs
__scs_entry_jumppad:
0x0: {  	(pc) =	sbr.rel $0x88, $3  }
0x1: {  	(tag) =	ssettag $0x0;
	lr =	simm.s32 $0x1  }
0x2: {  	[smem:$0x3F9C] =	sst lr;
	_ =	strace $0xD0000000  }
0x3: {  	_ = 	snop  }
0x4: {  	_ = 	snop  }
0x5: {  	_ = 	snop  }
0x6: {  	_ = 	snop  }
0x7: {  	_ = 	snop  }
__scs_overlays_trampoline_lowered:
0x8: {  	[smem:$0x3FAB] =	sst s0  }
0x9: {  	[smem:$0x3FAC] =	sst s1  }
0xa: {  	[smem:$0x3FAD] =	sst s2  }
0xb: {  	[smem:$0x3FAE] =	sst s3  }
0xc: {  	[smem:$0x3FAF] =	sst s4  }
0xd: {  	[smem:$0x3FB0] =	sst s5  }
0xe: {  	[smem:$0x3FB1] =	sst s6  }
0xf: {  	[smem:$0x3FB2] =	sst s7  }
0x10: {  	[smem:$0x3FB3] =	sst s8  }
0x11: {  	[smem:$0x3FB4] =	sst s9;
	s0 =	simm.s32 @!p0 $0x0  }
0x12: {  	s1 =	sld [smem:$0x3F9A];
	s0 =	simm.s32 @p0 $0x1  }
0x13: {  	[smem:$0x3FB5] =	sst s0;
	s0 =	simm.s32 @!p1 $0x0  }
0x14: {  	s2 =	sld [smem:$0x3F99];
	s0 =	simm.s32 @p1 $0x1  }
0x15: {  	[smem:$0x3FB6] =	sst s0;
	s0 =	simm.s32 @!p2 $0x0  }
0x16: {  	s3 =	sld [smem:$0x3FDB];
	s0 =	simm.s32 @p2 $0x1  }
0x17: {  	s4 =	simm.s32 $0x1BF5;
	[smem:$0x3FB8] =	sst s0  }
0x18: {  	s0 =	sld [smem:$0x3F9B];
	_ =	swait.ge [sflag:s4], $0x0  }
0x19: {  	s7 =	sld [smem:$0x3F9C]  }
0x1a: {  	s8 =	sadd.s32 $0xFFFFE003, lr  }
0x1b: {  	s9 =	sadd.s32 $0xFFFFFEF7, lr;
	s5 =	simm.s32 $0xFFFFFFFF;
	p2 =	slt.u32 s8, $0xFFFFF086  }
0x1c: {  	p1 =	slt.u32 s9, $0xF7A;
	s5 =	simm.s32 @!p2 $0x0  }
0x1d: {  	s5 =	simm.s32 @p1 $0x1;
	p0 =	seq.s32 s7, s2  }
0x1e: {  	s7 =	smul.u32 @!p0 $0xF7A, s2;
	p2 =	seq.s32 @!p0 s5, $0x0  }
0x1f: {  	s9 =	smul.u32 $0xF7A, s1;
	s8 =	simm.s32 @!p0 $0x1BF5;
	p2 =	por !p2, p0  }
0x20: {  	[sflag:s8] =	ssyncset.s32 @!p0 $0xFFFFF086;
	s6 =	sadd.s32 @!p0 s3, s7;
	s7 =	simm.s32 @!p0 $0x108  }
0x21: {  	s3 =	sadd.s32 s3, s9;
	s6 =	sadd.s32 @!p0 $0x88, s6;
	s7 =	simm.s32 @p2 $0x1082  }
0x22: {  	[simem:s7], [sflag:s8] =	dma.local @!p0 [hbm:s6], $0xF7A  }
0x23: {  	s9 =	sor.u32 $0xD0000000, s2;
	s6 =	simm.s32 $0x108;
	_ =	swait.ge @!p0 [sflag:s8], $0x0  }
0x24: {  	s3 =	sadd.s32 $0x88, s3;
	s6 =	simm.s32 @!p1 $0x1082;
	[sflag:s4] =	ssyncset.s32 $0xFFFFF086  }
0x25: {  	[simem:s6], [sflag:s4] =	dma.local [hbm:s3], $0xF7A  }
0x26: {  	[smem:$0x3F9C] =	sst s1;
	(tag) =	ssettag s2;
	_ =	strace s9  }
0x27: {  	s1 =	sld [smem:$0x3FAC]  }
0x28: {  	s2 =	sld [smem:$0x3FAD]  }
0x29: {  	s4 =	sld [smem:$0x3FAF]  }
0x2a: {  	p0 =	seq.s32 s5, $0x0;
	s5 =	sld [smem:$0x3FB0]  }
0x2b: {  	s6 =	sld [smem:$0x3FB1]  }
0x2c: {  	s7 =	sld [smem:$0x3FB2]  }
0x2d: {  	s3 =	simm.s32 $0x108;
	s8 =	sld [smem:$0x3FB3]  }
0x2e: {  	s3 =	simm.s32 @!p0 $0x1082;
	s9 =	sld [smem:$0x3FB4]  }
0x2f: {  	lr =	sadd.s32 s0, s3;
	s0 =	sld [smem:$0x3FAB]  }
0x30: {  	s3 =	sld [smem:$0x3FAE]  }
0x31: {  	[smem:$0x3FB7] =	sst s10  }
0x32: {  	s10 =	sld [smem:$0x3FB5];
	_ =	sdelay $0x3  }
0x33: {  	p0 =	seq.s32 s10, $0x1;
	s10 =	sld [smem:$0x3FB7];
	_ =	sdelay $0x3  }
0x34: {  	[smem:$0x3FB7] =	sst s10  }
0x35: {  	s10 =	sld [smem:$0x3FB6];
	_ =	sdelay $0x3  }
0x36: {  	p1 =	seq.s32 s10, $0x1;
	s10 =	sld [smem:$0x3FB7];
	_ =	sdelay $0x3  }
0x37: {  	[smem:$0x3FB7] =	sst s10  }
0x38: {  	s10 =	sld [smem:$0x3FB8]  }
0x39: {  	_ = 	snop;
	(pc) =	sbr.ind lr, $3  }
0x3a: {  	_ = 	snop  }
0x3b: {  	_ = 	snop  }
0x3c: {  	p2 =	seq.s32 s10, $0x1;
	s10 =	sld [smem:$0x3FB7]  }
0x3d: {  	_ =	shalt  }
0x3e: {  	_ =	shalt  }
0x3f: {  	_ =	shalt  }
0x40: {  	_ =	shalt  }
0x41: {  	_ =	shalt  }
0x42: {  	_ =	shalt  }
0x43: {  	_ =	shalt  }
0x44: {  	_ =	shalt  }
0x45: {  	_ =	shalt  }
0x46: {  	_ =	shalt  }
0x47: {  	_ =	shalt  }
0x48: {  	_ =	shalt  }
0x49: {  	_ =	shalt  }
0x4a: {  	_ =	shalt  }
0x4b: {  	_ =	shalt  }
0x4c: {  	_ =	shalt  }
0x4d: {  	_ =	shalt  }
0x4e: {  	_ =	shalt  }
0x4f: {  	_ =	shalt  }
0x50: {  	_ =	shalt  }
0x51: {  	_ =	shalt  }
0x52: {  	_ =	shalt  }
0x53: {  	_ =	shalt  }
0x54: {  	_ =	shalt  }
0x55: {  	_ =	shalt  }
0x56: {  	_ =	shalt  }
0x57: {  	_ =	shalt  }
0x58: {  	_ =	shalt  }
0x59: {  	_ =	shalt  }
0x5a: {  	_ =	shalt  }
0x5b: {  	_ =	shalt  }
0x5c: {  	_ =	shalt  }
0x5d: {  	_ =	shalt  }
0x5e: {  	_ =	shalt  }
0x5f: {  	_ =	shalt  }
0x60: {  	_ =	shalt  }
0x61: {  	_ =	shalt  }
0x62: {  	_ =	shalt  }
0x63: {  	_ =	shalt  }
0x64: {  	_ =	shalt  }
0x65: {  	_ =	shalt  }
0x66: {  	_ =	shalt  }
0x67: {  	_ =	shalt  }
0x68: {  	_ =	shalt  }
0x69: {  	_ =	shalt  }
0x6a: {  	_ =	shalt  }
0x6b: {  	_ =	shalt  }
0x6c: {  	_ =	shalt  }
0x6d: {  	_ =	shalt  }
0x6e: {  	_ =	shalt  }
0x6f: {  	_ =	shalt  }
0x70: {  	_ =	shalt  }
0x71: {  	_ =	shalt  }
0x72: {  	_ =	shalt  }
0x73: {  	_ =	shalt  }
0x74: {  	_ =	shalt  }
0x75: {  	_ =	shalt  }
0x76: {  	_ =	shalt  }
0x77: {  	_ =	shalt  }
0x78: {  	_ =	shalt  }
0x79: {  	_ =	shalt  }
0x7a: {  	_ =	shalt  }
0x7b: {  	_ =	shalt  }
0x7c: {  	_ =	shalt  }
0x7d: {  	_ =	shalt  }
0x7e: {  	_ =	shalt  }
0x7f: {  	_ =	shalt  }
0x80: {  	_ =	shalt  }
0x81: {  	_ =	shalt  }
0x82: {  	_ =	shalt  }
0x83: {  	_ =	shalt  }
0x84: {  	_ =	shalt  }
0x85: {  	_ =	shalt  }
0x86: {  	_ =	shalt  }
0x87: {  	_ =	shalt  }
.Lfunc_end0:
.L_simem_size_0:
called_computation.1_lowered:
.L_overlay_start_0:
0x88: {  	s2 =	sld [smem:$0x3FD9]  }
0x89: {  	s3 =	sld [smem:$0x3FFE];
	_ =	sdelay $0x1  }
0x8a: {  	s1 =	srdreg.scid  }
0x8b: {  	s0 =	sand.u32 $0x1, s1  }
0x8c: {  	s16 =	sshll.u32 s0, $0xA;
	s2 =	sadd.s32 s3, s2  }
0x8d: {  	s2 =	sadd.s32 s2, s16  }
0x8e: {  	[smem:$0x3FC3] =	sst s2  }
0x8f: {  	_ = 	snop  }
0x90: {  	(tm) =	ssettm $0x1  }
0x91: {  	s17 =	sld [smem:$0x3FFB];
	_ =	sdelay $0x3  }
0x92: {  	_ =	strace s17  }
0x93: {  	s2 =	sld [smem:$0x3FFC];
	_ =	sdelay $0x3  }
0x94: {  	_ =	strace s2  }
0x95: {  	s2 =	sld [smem:$0x3FFD];
	_ =	sdelay $0x3  }
0x96: {  	_ =	strace s2  }
0x97: {  	_ =	strace $0x8FFFFFFF  }
0x98: {  	s18 =	sld [smem:$0x3FDB];
	_ =	sdelay $0x1  }
0x99: {  	s19 =	simm.s32 $_scs_section_size  }
0x9a: {  	s4 =	simm.s32 $_size__tile_overlayer_lowered;
	s5 =	simm.s32 $_tile_overlayer_lowered  }
0x9b: {  	s22 =	simm.s32 $0x1BFF;
	s21 =	sshll.u32 s5, $0x1;
	s2 =	sadd.s32 s19, s18  }
0x9c: {  	s6 =	simm.s32 $0x0;
	s20 =	sshll.u32 s4, $0x1;
	s4 =	sadd.s32 s21, s2  }
0x9d: {  	[timem:s6], [sflag:s22] =	dma.local [hbm:s4], s20  }
0x9e: {  	_ =	swait.ge [sflag:s22], s20  }
0x9f: {  	s3 =	ssub.s32 $0x0, s20;
	[sflag:s22] =	ssyncset.done $0x0  }
0xa0: {  	[sflag:s22] =	ssyncadd.s32 s3;
	_ =	sdelay $0x1  }
0xa1: {  	s23 =	simm.s32 $0x1B8B  }
0xa2: {  	_ =	swait.ge [sflag:s23], $0x1  }
0xa3: {  	[sflag:s23] =	ssyncset.done $0x0  }
0xa4: {  	s25 =	simm.s32 $0x1B8E;
	s24 =	sld [smem:$0x3FFE];
	[sflag:s23] =	ssyncadd.s32 $0xFFFFFFFF  }
0xa5: {  	s26 =	simm.s32 $execute0_lowered;
	[smem:$0x3FD2] =	sst s25  }
0xa6: {  	s4 =	sshll.u32 s26, $0x1;
	_ =	strace $0x80000049;
	[dreg:$0x1] =	wrdreg $0xFFFFFFFF  }
0xa7: {  	s28 =	simm.s32 $_size_execute0_lowered;
	s2 =	sadd.s32 s2, s4;
	[dreg:$0x0] =	wrdreg $0x0  }
0xa8: {  	s4 =	sshll.u32 s28, $0x1;
	[dreg:$0x2] =	wrdreg s2  }
0xa9: {  	[dreg:$0x3] =	wrdreg s4  }
0xaa: {  	[dreg:$0x4] =	wrdreg $0xC0  }
0xab: {  	_ =	task [dreg:s6], $0x5FFFF  }
0xac: {  	[dreg:$0x1] =	wrdreg $0xFFFFFFFF  }
0xad: {  	[dreg:$0x0] =	wrdreg $0x60  }
0xae: {  	[dreg:$0x2] =	wrdreg s24  }
0xaf: {  	[dreg:$0x3] =	wrdreg $0xA  }
0xb0: {  	_ =	task.clear_ibuf [dreg:s6], $0x4FFFF;
	_ =	strace $0x90000049  }
0xb1: {  	s29 =	simm.s32 $0xA;
	_ =	strace $0x8000004B  }
0xb2: {  	_ =	swait.ge [sflag:s29], $0x1  }
0xb3: {  	[sflag:s29] =	ssyncadd.s32 $0xFFFFFFFF  }
0xb4: {  	_ =	strace $0x9000004B  }
0xb5: {  	_ =	sfence  }
0xb6: {  	s30 =	sld [smem:$0x0];
	_ =	sdelay $0x2  }
0xb7: {  	s31 =	sshll.u32 s1, $0xD;
	s1 =	sshrl.u32 s1, $0x2  }
0xb8: {  	s3 =	sand.u32 $0x4000, s31;
	s1 =	sadd.s32 s1, s30  }
0xb9: {  	s0 =	sor.u32 s3, s0;
	s1 =	sshll.u32 s1, $0x11  }
0xba: {  	s0 =	sor.u32 s1, s0  }
0xbb: {  	s0 =	sadd.s32 $0x8F2B, s0  }
0xbc: {  	[sflag:s0] =	ssyncadd.remote.s32 $0x1  }
0xbd: {  	_ =	sfence.sel $0xFFFF  }
0xbe: {  	[dreg:$0x0] =	wrdreg $0xFFFFFFFF;
	(pc) =	sbr.abs _section_cstart, $3  }
0xbf: {  	[dreg:$0x1] =	wrdreg $0xFFFFFFFF  }
0xc0: {  	_ =	task.clear_ibuf [dreg:s6], $0x2FFFF;
	_ =	strace $0x9FFFFFFF  }
0xc1: {  	(tm) =	ssettm $0x7FFFFFFF  }
tec
execute0_lowered:
.L_overlay_start_1:
0x0: {  	(tag) =	ssettag $0x1  }
0x1: {  	s7 =	rddreg [dreg:$0x0]  }
0x2: {  	s0 =	rddreg [dreg:$0x1];
	_ =	strace $0x8000004A  }
0x3: {  	s1 =	srdreg.scid;
	s4 =	simm.s32 $0x1;
	s9 =	simm.s32 $0x3  }
0x4: {  	s12 =	simm.s32 $0x0;
	s10 =	simm.s32 $0x0;
	s5 =	sshll.u32 s1, $0x4  }
.Ltmp0:
0x5: {  	s1 =	stileid.u32;
	s5 =	sand.u32 $0x10, s5;
	(pc) =	sbr.rel .LBB2_1-.Ltmp0, $4  }
0x6: {  	s2 =	sadd.s32 $0xC2A00, s7;
	s3 =	sadd.s32 $0x1200, s7;
	s6 =	sor.u32 s1, s5  }
0x7: {  	[sflag:s4] =	ssyncpa.u1 $0x0;
	s5 =	simm.s32 $0x2;
	s6 =	sshll.u32 s6, $0x6  }
0x8: {  	s7 =	sadd.s32 $0x2A00, s7;
	[sflag:s5] =	ssyncpa.u1 $0x0;
	s8 =	sadd.s32 $0x40, s6  }
0x9: {  	vm0 =	vmmov $0xff;
	vm1 =	vcmask $0x3F20;
	[sflag:s9] =	ssyncpa.u1 $0x0;
	s9 =	simm.s32 $0x40;
	s11 =	smov.u32 s6  }
.LBB2_11:
0xa: {  	p0 =	seq.s32 s10, $0x2  }
.Ltmp1:
0xb: {  	_ = 	snop;
	(pc) =	sbr.rel @p0 .LBB2_13-.Ltmp1, $1  }
0xc: {  	_ =	sdelay $0x3  }
.LBB2_12:
0xd: {  	s12 =	sadd.s32 $0x40, s11  }
0xe: {  	s13 =	smov.u32 s6;
	p0 =	slt.s32 s12, s8  }
0xf: {  	s13 =	smov.u32 @p0 s12  }
0x10: {  	s10 =	sadd.s32 $0x1, s10;
	s12 =	smov.u32 s11;
	s11 =	smov.u32 s13  }
.LBB2_1:
0x11: {  	p0 =	sne.s32 s10, $0x0  }
.Ltmp2:
0x12: {  	_ = 	snop;
	(pc) =	sbr.rel @!p0 .LBB2_2-.Ltmp2, $1  }
0x13: {  	_ =	sdelay $0x3  }
0x14: {  	s13 =	sand.u32 $0x1, s10  }
0x15: {  	p0 =	seq.s32 s13, $0x0  }
.Ltmp3:
0x16: {  	_ = 	snop;
	(pc) =	sbr.rel @p0 .LBB2_11-.Ltmp3, $1  }
0x17: {  	_ =	sdelay $0x3  }
0x18: {  	_ =	swait.ge [sflag:s5], $0x40  }
0x19: {  	[sflag:s5] =	ssyncset.done $0x0  }
0x1a: {  	s13 =	simm.s32 $0x0;
	s14 =	simm.s32 $0x80;
	[sflag:s5] =	ssyncadd.s32 $0xFFFFFFC0  }
.LBB2_5:
0x1b: {  	s15 =	sshll.u32 s13, $0x4  }
0x1c: {  	s15 =	sand.u32 $0x3FFFFFF0, s15  }
0x1d: {  	v0 =	vld.msk [tilespmem:s15+$0x40 ss:$0x1], $0xffff;
	_ =	sdelay $0x4  }
0x1e: {  	vm2 =	vgt.s32 v0, $0x0  }
0x1f: {  	v0 =	vnsel vm2, $0x0, v0  }
0x20: {  	v0 =	vmin.u32 v0, $0x1FFF  }
0x21: {  	v1 =	vshrl.u32 v0, $0x3  }
0x22: {  	v0 =	vshll.u32 v0, $0x7;
	v1 =	vmul.u32 $0x1800, v1  }
0x23: {  	v0 =	vand.u32 $0x380, v0  }
0x24: {  	v0 =	vor.u32 v0, v1  }
0x25: {  	v0 =	vshrl.u32 v0, $0x3;
	_ =	sdelay $0x2  }
0x26: {  	s16 =	sadd.s32 $0xFFFFE800, s14  }
0x27: {  	s31 =	sadd.s32 $0xD800, s16;
	s16 =	sadd.s32 $0xF000, s16;
	s15 =	simm.s32 $0xFFFFB000  }
0x28: {  	v1 =	vadd.s32 $0x80, v0;
	[tilespmem:s31], [sflag:$0x1] =	stream.indirect_vreg.gather [hbm:s2], $0x80, v0, vm0, $0x38;
	[tilespmem:$0x18080] =	vst v63  }
.LBB2_6:
0x29: {  	[tilespmem:s16], [sflag:$0x1] =	stream.indirect_vreg.gather [hbm:s2], $0x80, v0, vm1, $0x38;
	[tilespmem:$0x18080] =	vst v63  }
0x2a: {  	v0 =	vmov v1;
	p0 =	sne.s32 s15, $0xFFFFF000  }
.Ltmp4:
0x2b: {  	s16 =	sshra.s32 s15, $0x2;
	(pc) =	sbr.rel @p0 .LBB2_6-.Ltmp4, $4  }
0x2c: {  	s15 =	sadd.s32 $0x1000, s15;
	s16 =	sadd.s32 s16, s14  }
0x2d: {  	s17 =	sadd.s32 $0xD800, s16  }
0x2e: {  	[tilespmem:s17], [sflag:$0x1] =	stream.indirect_vreg.gather [hbm:s2], $0x80, v1, vm0, $0x38;
	[tilespmem:$0x18080] =	vst v63  }
0x2f: {  	s16 =	sadd.s32 $0xF000, s16;
	v1 =	vadd.s32 $0x80, v1  }
0x30: {  	s13 =	sadd.s32 $0x1, s13  }
0x31: {  	p0 =	sne.s32 s13, $0x4  }
.Ltmp5:
0x32: {  	_ = 	snop;
	(pc) =	sbr.rel @p0 .LBB2_5-.Ltmp5, $3  }
0x33: {  	_ =	sdelay $0x1  }
0x34: {  	[tilespmem:s16], [sflag:$0x1] =	stream.indirect_vreg.gather [hbm:s2], $0x80, v0, vm1, $0x38;
	[tilespmem:$0x18080] =	vst v63  }
0x35: {  	s14 =	sadd.s32 $0x3000, s14  }
0x36: {  	s13 =	sshrl.u32 s12, $0x3  }
0x37: {  	s13 =	smul.u32 $0x300, s13  }
0x38: {  	_ =	swait.ge [sflag:s4], $0xC000;
	s31 =	sshll.u32 s12, $0x4  }
0x39: {  	s14 =	simm.s32 $0x300;
	s12 =	sand.u32 $0x70, s31;
	s13 =	sadd.s32 s13, s7  }
0x3a: {  	s15 =	simm.s32 $0xD880;
	[sflag:s4] =	ssyncset.done $0x0;
	s12 =	sadd.s32 s12, s13  }
0x3b: {  	[sflag:s4] =	ssyncadd.s32 $0xFFFF4000;
	s13 =	simm.s32 $0xC080;
	s16 =	sadd.s32 $0x0, s12  }
.LBB2_9:
0x3c: {  	[hbm:s16] =	stream.linear.scatter [tilespmem:s13], [sflag:$0x3], $0x1800, $0x38;
	[tilespmem:$0x18080] =	vst v63  }
0x3d: {  	s16 =	smov.u32 s14;
	s13 =	smov.u32 s15;
	p0 =	sne.s32 s14, $0x1500  }
.Ltmp6:
0x3e: {  	s14 =	sadd.s32 $0x300, s14;
	(pc) =	sbr.rel @p0 .LBB2_9-.Ltmp6, $2  }
0x3f: {  	_ =	sdelay $0x2  }
0x40: {  	s15 =	sadd.s32 $0x1800, s15;
	s16 =	sadd.s32 s16, s12  }
.Ltmp7:
0x41: {  	(pc) =	sbr.rel .LBB2_11-.Ltmp7, $2  }
0x42: {  	_ =	sdelay $0x2  }
0x43: {  	[hbm:s16] =	stream.linear.scatter [tilespmem:s13], [sflag:$0x3], $0x1800, $0x38;
	[tilespmem:$0x18080] =	vst v63  }
.LBB2_2:
.Ltmp8:
0x44: {  	(pc) =	sbr.rel .LBB2_12-.Ltmp8, $4  }
0x45: {  	_ = 	snop  }
0x46: {  	s12 =	sshrl.u32 s11, $0x3  }
0x47: {  	s13 =	sand.u32 $0x7, s11;
	s12 =	sadd.s32 s3, s12  }
0x48: {  	[tilespmem:s9], [sflag:$0x2] =	stream.linear.gather [hbm4b:s12+s13], $0x40, $0x38;
	[tilespmem:$0x18080] =	vst v63  }
.LBB2_13:
0x49: {  	s2 =	simm.s32 $0x3  }
0x4a: {  	_ =	swait.ge [sflag:s2], $0xC000  }
0x4b: {  	[sflag:s2] =	ssyncset.done $0x0  }
0x4c: {  	[sflag:s2] =	ssyncadd.s32 $0xFFFF4000  }
0x4d: {  	_ =	sfence.sel $0x180000  }
0x4e: {  	s3 =	simm.s32 $0x2;
	[bflag:$0x0] =	sbarrier.arrive $0xFFFF  }
0x4f: {  	[sflag:s3] =	ssyncpa.u1 $0x1  }
0x50: {  	s31 =	simm.s32 $0x1;
	[sflag:s2] =	ssyncpa.u1 $0x1  }
0x51: {  	[sflag:s31] =	ssyncpa.u1 $0x1  }
0x52: {  	p0 =	sne.s32 s1, $0x0;
	_ =	strace $0x9000004A  }
0x53: {  	s0 =	sadd.s32 @!p0 $0x100000, s0;
	[bflag:$0x2] =	sbarrier.arrive $0xFFFF  }
0x54: {  	[sflag:s0] =	ssyncadd.tile.s32 @!p0 $0x1;
	_ =	shalt  }
.Lfunc_end2:
_tile_overlayer_lowered:
.L_overlay_start_2:
0x55: {  	(tag) =	ssettag $0x2  }
0x56: {  	s0 =	rddreg [dreg:$0x0];
	s2 =	stileid.u32  }
0x57: {  	s1 =	rddreg [dreg:$0x1];
	p0 =	sne.s32 s2, $0x0  }
0x58: {  	s3 =	rddreg [dreg:$0x2];
	[bflag:$0x3] =	sbarrier.arrive $0xFFFF;
	s2 =	simm.s32 @!p0 $0x1C01  }
0x59: {  	[timem:s3], [sflag:s2] =	dma.local @!p0 [hbm:s0], s1  }
0x5a: {  	s0 =	simm.s32 @!p0 $0x1  }
0x5b: {  	_ =	swait.ge @!p0 [sflag:s0], s1  }
0x5c: {  	s1 =	ssub.s32 @!p0 $0x0, s1;
	[sflag:s0] =	ssyncset.done @!p0 $0x0  }
0x5d: {  	[sflag:s0] =	ssyncadd.s32 @!p0 s1  }
0x5e: {  	[bflag:$0x3] =	sbarrier.arrive $0xFFFF  }
0x5f: {  	_ =	shalt  }

// kernel: gather_offload_async_start
scs
__scs_entry_jumppad:
0x0: {  	(pc) =	sbr.rel $0x88, $3  }
0x1: {  	(tag) =	ssettag $0x0;
	lr =	simm.s32 $0x1  }
0x2: {  	[smem:$0x3F9C] =	sst lr;
	_ =	strace $0xD0000000  }
0x3: {  	_ = 	snop  }
0x4: {  	_ = 	snop  }
0x5: {  	_ = 	snop  }
0x6: {  	_ = 	snop  }
0x7: {  	_ = 	snop  }
__scs_overlays_trampoline_lowered:
0x8: {  	[smem:$0x3FAB] =	sst s0  }
0x9: {  	[smem:$0x3FAC] =	sst s1  }
0xa: {  	[smem:$0x3FAD] =	sst s2  }
0xb: {  	[smem:$0x3FAE] =	sst s3  }
0xc: {  	[smem:$0x3FAF] =	sst s4  }
0xd: {  	[smem:$0x3FB0] =	sst s5  }
0xe: {  	[smem:$0x3FB1] =	sst s6  }
0xf: {  	[smem:$0x3FB2] =	sst s7  }
0x10: {  	[smem:$0x3FB3] =	sst s8  }
0x11: {  	[smem:$0x3FB4] =	sst s9;
	s0 =	simm.s32 @!p0 $0x0  }
0x12: {  	s1 =	sld [smem:$0x3F9A];
	s0 =	simm.s32 @p0 $0x1  }
0x13: {  	[smem:$0x3FB5] =	sst s0;
	s0 =	simm.s32 @!p1 $0x0  }
0x14: {  	s2 =	sld [smem:$0x3F99];
	s0 =	simm.s32 @p1 $0x1  }
0x15: {  	[smem:$0x3FB6] =	sst s0;
	s0 =	simm.s32 @!p2 $0x0  }
0x16: {  	s3 =	sld [smem:$0x3FDB];
	s0 =	simm.s32 @p2 $0x1  }
0x17: {  	s4 =	simm.s32 $0x1BF5;
	[smem:$0x3FB8] =	sst s0  }
0x18: {  	s0 =	sld [smem:$0x3F9B];
	_ =	swait.ge [sflag:s4], $0x0  }
0x19: {  	s7 =	sld [smem:$0x3F9C]  }
0x1a: {  	s8 =	sadd.s32 $0xFFFFE003, lr  }
0x1b: {  	s9 =	sadd.s32 $0xFFFFFEF7, lr;
	s5 =	simm.s32 $0xFFFFFFFF;
	p2 =	slt.u32 s8, $0xFFFFF086  }
0x1c: {  	p1 =	slt.u32 s9, $0xF7A;
	s5 =	simm.s32 @!p2 $0x0  }
0x1d: {  	s5 =	simm.s32 @p1 $0x1;
	p0 =	seq.s32 s7, s2  }
0x1e: {  	s7 =	smul.u32 @!p0 $0xF7A, s2;
	p2 =	seq.s32 @!p0 s5, $0x0  }
0x1f: {  	s9 =	smul.u32 $0xF7A, s1;
	s8 =	simm.s32 @!p0 $0x1BF5;
	p2 =	por !p2, p0  }
0x20: {  	[sflag:s8] =	ssyncset.s32 @!p0 $0xFFFFF086;
	s6 =	sadd.s32 @!p0 s3, s7;
	s7 =	simm.s32 @!p0 $0x108  }
0x21: {  	s3 =	sadd.s32 s3, s9;
	s6 =	sadd.s32 @!p0 $0x88, s6;
	s7 =	simm.s32 @p2 $0x1082  }
0x22: {  	[simem:s7], [sflag:s8] =	dma.local @!p0 [hbm:s6], $0xF7A  }
0x23: {  	s9 =	sor.u32 $0xD0000000, s2;
	s6 =	simm.s32 $0x108;
	_ =	swait.ge @!p0 [sflag:s8], $0x0  }
0x24: {  	s3 =	sadd.s32 $0x88, s3;
	s6 =	simm.s32 @!p1 $0x1082;
	[sflag:s4] =	ssyncset.s32 $0xFFFFF086  }
0x25: {  	[simem:s6], [sflag:s4] =	dma.local [hbm:s3], $0xF7A  }
0x26: {  	[smem:$0x3F9C] =	sst s1;
	(tag) =	ssettag s2;
	_ =	strace s9  }
0x27: {  	s1 =	sld [smem:$0x3FAC]  }
0x28: {  	s2 =	sld [smem:$0x3FAD]  }
0x29: {  	s4 =	sld [smem:$0x3FAF]  }
0x2a: {  	p0 =	seq.s32 s5, $0x0;
	s5 =	sld [smem:$0x3FB0]  }
0x2b: {  	s6 =	sld [smem:$0x3FB1]  }
0x2c: {  	s7 =	sld [smem:$0x3FB2]  }
0x2d: {  	s3 =	simm.s32 $0x108;
	s8 =	sld [smem:$0x3FB3]  }
0x2e: {  	s3 =	simm.s32 @!p0 $0x1082;
	s9 =	sld [smem:$0x3FB4]  }
0x2f: {  	lr =	sadd.s32 s0, s3;
	s0 =	sld [smem:$0x3FAB]  }
0x30: {  	s3 =	sld [smem:$0x3FAE]  }
0x31: {  	[smem:$0x3FB7] =	sst s10  }
0x32: {  	s10 =	sld [smem:$0x3FB5];
	_ =	sdelay $0x3  }
0x33: {  	p0 =	seq.s32 s10, $0x1;
	s10 =	sld [smem:$0x3FB7];
	_ =	sdelay $0x3  }
0x34: {  	[smem:$0x3FB7] =	sst s10  }
0x35: {  	s10 =	sld [smem:$0x3FB6];
	_ =	sdelay $0x3  }
0x36: {  	p1 =	seq.s32 s10, $0x1;
	s10 =	sld [smem:$0x3FB7];
	_ =	sdelay $0x3  }
0x37: {  	[smem:$0x3FB7] =	sst s10  }
0x38: {  	s10 =	sld [smem:$0x3FB8]  }
0x39: {  	_ = 	snop;
	(pc) =	sbr.ind lr, $3  }
0x3a: {  	_ = 	snop  }
0x3b: {  	_ = 	snop  }
0x3c: {  	p2 =	seq.s32 s10, $0x1;
	s10 =	sld [smem:$0x3FB7]  }
0x3d: {  	_ =	shalt  }
0x3e: {  	_ =	shalt  }
0x3f: {  	_ =	shalt  }
0x40: {  	_ =	shalt  }
0x41: {  	_ =	shalt  }
0x42: {  	_ =	shalt  }
0x43: {  	_ =	shalt  }
0x44: {  	_ =	shalt  }
0x45: {  	_ =	shalt  }
0x46: {  	_ =	shalt  }
0x47: {  	_ =	shalt  }
0x48: {  	_ =	shalt  }
0x49: {  	_ =	shalt  }
0x4a: {  	_ =	shalt  }
0x4b: {  	_ =	shalt  }
0x4c: {  	_ =	shalt  }
0x4d: {  	_ =	shalt  }
0x4e: {  	_ =	shalt  }
0x4f: {  	_ =	shalt  }
0x50: {  	_ =	shalt  }
0x51: {  	_ =	shalt  }
0x52: {  	_ =	shalt  }
0x53: {  	_ =	shalt  }
0x54: {  	_ =	shalt  }
0x55: {  	_ =	shalt  }
0x56: {  	_ =	shalt  }
0x57: {  	_ =	shalt  }
0x58: {  	_ =	shalt  }
0x59: {  	_ =	shalt  }
0x5a: {  	_ =	shalt  }
0x5b: {  	_ =	shalt  }
0x5c: {  	_ =	shalt  }
0x5d: {  	_ =	shalt  }
0x5e: {  	_ =	shalt  }
0x5f: {  	_ =	shalt  }
0x60: {  	_ =	shalt  }
0x61: {  	_ =	shalt  }
0x62: {  	_ =	shalt  }
0x63: {  	_ =	shalt  }
0x64: {  	_ =	shalt  }
0x65: {  	_ =	shalt  }
0x66: {  	_ =	shalt  }
0x67: {  	_ =	shalt  }
0x68: {  	_ =	shalt  }
0x69: {  	_ =	shalt  }
0x6a: {  	_ =	shalt  }
0x6b: {  	_ =	shalt  }
0x6c: {  	_ =	shalt  }
0x6d: {  	_ =	shalt  }
0x6e: {  	_ =	shalt  }
0x6f: {  	_ =	shalt  }
0x70: {  	_ =	shalt  }
0x71: {  	_ =	shalt  }
0x72: {  	_ =	shalt  }
0x73: {  	_ =	shalt  }
0x74: {  	_ =	shalt  }
0x75: {  	_ =	shalt  }
0x76: {  	_ =	shalt  }
0x77: {  	_ =	shalt  }
0x78: {  	_ =	shalt  }
0x79: {  	_ =	shalt  }
0x7a: {  	_ =	shalt  }
0x7b: {  	_ =	shalt  }
0x7c: {  	_ =	shalt  }
0x7d: {  	_ =	shalt  }
0x7e: {  	_ =	shalt  }
0x7f: {  	_ =	shalt  }
0x80: {  	_ =	shalt  }
0x81: {  	_ =	shalt  }
0x82: {  	_ =	shalt  }
0x83: {  	_ =	shalt  }
0x84: {  	_ =	shalt  }
0x85: {  	_ =	shalt  }
0x86: {  	_ =	shalt  }
0x87: {  	_ =	shalt  }
.Lfunc_end0:
.L_simem_size_0:
called_computation_lowered:
.L_overlay_start_0:
0x88: {  	s2 =	sld [smem:$0x3FD9]  }
0x89: {  	s3 =	sld [smem:$0x3FFE];
	_ =	sdelay $0x1  }
0x8a: {  	s1 =	srdreg.scid  }
0x8b: {  	s0 =	sand.u32 $0x1, s1  }
0x8c: {  	s15 =	sshll.u32 s0, $0xA;
	s2 =	sadd.s32 s3, s2  }
0x8d: {  	s2 =	sadd.s32 s2, s15  }
0x8e: {  	[smem:$0x3FC3] =	sst s2  }
0x8f: {  	_ = 	snop  }
0x90: {  	s2 =	sld [smem:$0x3FD0];
	_ =	sdelay $0x2  }
0x91: {  	s16 =	simm.s32 $0xB;
	s4 =	simm.s32 $0x10  }
0x92: {  	[smem:s4], [sflag:s16] =	dma.local [hbm:s2], $0x1  }
0x93: {  	_ =	swait.eq [sflag:s16], $0x1  }
0x94: {  	[sflag:s16] =	ssyncset.done $0x0  }
0x95: {  	[sflag:s16] =	ssyncadd.s32 $0xFFFFFFFF  }
0x96: {  	s17 =	sld [smem:$0x10];
	(tm) =	ssettm $0x1  }
0x97: {  	s18 =	sld [smem:$0x3FFB];
	_ =	sdelay $0x3  }
0x98: {  	_ =	strace s18  }
0x99: {  	s2 =	sld [smem:$0x3FFC];
	_ =	sdelay $0x3  }
0x9a: {  	_ =	strace s2  }
0x9b: {  	s2 =	sld [smem:$0x3FFD];
	_ =	sdelay $0x3  }
0x9c: {  	_ =	strace s2  }
0x9d: {  	_ =	strace $0x8FFFFFFF  }
0x9e: {  	s19 =	sld [smem:$0x3FDB];
	_ =	sdelay $0x1  }
0x9f: {  	s20 =	simm.s32 $_scs_section_size  }
0xa0: {  	s5 =	simm.s32 $_size__tile_overlayer_lowered;
	s6 =	simm.s32 $_tile_overlayer_lowered  }
0xa1: {  	s7 =	simm.s32 $0x1BFF;
	s21 =	sshll.u32 s6, $0x1;
	s4 =	sadd.s32 s20, s19  }
0xa2: {  	s22 =	simm.s32 $0x0;
	s5 =	sshll.u32 s5, $0x1;
	s6 =	sadd.s32 s21, s4  }
0xa3: {  	[timem:s22], [sflag:s7] =	dma.local [hbm:s6], s5  }
0xa4: {  	_ =	swait.ge [sflag:s7], s5  }
0xa5: {  	s5 =	ssub.s32 $0x0, s5;
	[sflag:s7] =	ssyncset.done $0x0  }
0xa6: {  	[sflag:s7] =	ssyncadd.s32 s5;
	_ =	sdelay $0x1  }
0xa7: {  	s23 =	simm.s32 $0x1B8B  }
0xa8: {  	_ =	swait.ge [sflag:s23], $0x1  }
0xa9: {  	[sflag:s23] =	ssyncset.done $0x0  }
0xaa: {  	[sflag:s23] =	ssyncadd.s32 $0xFFFFFFFF  }
0xab: {  	s5 =	sld [smem:$0x0]  }
0xac: {  	s6 =	sand.u32 $0xFFFFFFFE, s1  }
0xad: {  	p0 =	sne.s32 s1, s6  }
0xae: {  	s6 =	sshll.u32 @p0 s6, $0xE  }
0xaf: {  	s6 =	sadd.s32 @p0 $0x11B8D, s6;
	s7 =	sshll.u32 @p0 s5, $0x11  }
0xb0: {  	s6 =	sor.u32 @p0 s7, s6  }
0xb1: {  	[sflag:s6] =	ssyncadd.remote.s32 @p0 $0x1;
	_ =	sdelay $0x1  }
0xb2: {  	s6 =	simm.s32 @p0 $0x1B8D  }
0xb3: {  	_ =	swait.eq @p0 [sflag:s6], $0x1  }
0xb4: {  	[sflag:s6] =	ssyncadd.s32 @p0 $0xFFFFFFFF  }
0xb5: {  	s7 =	sshll.u32 @!p0 s1, $0xE  }
0xb6: {  	s7 =	sor.u32 @!p0 $0x4000, s7;
	s6 =	simm.s32 @!p0 $0x1B8D  }
0xb7: {  	s5 =	sshll.u32 @!p0 s5, $0x11;
	s7 =	sadd.s32 @!p0 $0x11B8D, s7;
	_ =	swait.eq @!p0 [sflag:s6], $0x1  }
0xb8: {  	s5 =	sor.u32 @!p0 s5, s7;
	[sflag:s6] =	ssyncadd.s32 @!p0 $0xFFFFFFFF  }
0xb9: {  	s25 =	simm.s32 $0x1B8E;
	s24 =	sld [smem:$0x3FFE];
	[sflag:s5] =	ssyncadd.remote.s32 @!p0 $0x1  }
0xba: {  	s26 =	simm.s32 $execute0_lowered;
	[smem:$0x3FD2] =	sst s25  }
0xbb: {  	s6 =	sshll.u32 s26, $0x1;
	_ =	strace $0x8000004C;
	[dreg:$0x1] =	wrdreg $0xFFFFFFFF  }
0xbc: {  	s28 =	simm.s32 $_size_execute0_lowered;
	s4 =	sadd.s32 s4, s6;
	[dreg:$0x0] =	wrdreg $0x0  }
0xbd: {  	s6 =	sshll.u32 s28, $0x1;
	[dreg:$0x2] =	wrdreg s4  }
0xbe: {  	[dreg:$0x3] =	wrdreg s6  }
0xbf: {  	[dreg:$0x4] =	wrdreg $0xC0  }
0xc0: {  	_ =	task [dreg:s22], $0x5FFFF  }
0xc1: {  	[dreg:$0x1] =	wrdreg $0xFFFFFFFF  }
0xc2: {  	[dreg:$0x0] =	wrdreg $0x60  }
0xc3: {  	[dreg:$0x2] =	wrdreg s24  }
0xc4: {  	[dreg:$0x3] =	wrdreg s17  }
0xc5: {  	[dreg:$0x4] =	wrdreg $0x9  }
0xc6: {  	_ =	task.clear_ibuf [dreg:s22], $0x5FFFF;
	_ =	strace $0x9000004C  }
0xc7: {  	s29 =	simm.s32 $0x9;
	_ =	strace $0x8000004E  }
0xc8: {  	_ =	swait.ge [sflag:s29], $0x1  }
0xc9: {  	[sflag:s29] =	ssyncadd.s32 $0xFFFFFFFF  }
0xca: {  	_ =	strace $0x9000004E  }
0xcb: {  	_ =	sfence  }
0xcc: {  	s30 =	sld [smem:$0x0];
	_ =	sdelay $0x2  }
0xcd: {  	s31 =	sshll.u32 s1, $0xD;
	s1 =	sshrl.u32 s1, $0x2  }
0xce: {  	s4 =	sand.u32 $0x4000, s31;
	s1 =	sadd.s32 s1, s30  }
0xcf: {  	s0 =	sor.u32 s4, s0;
	s1 =	sshll.u32 s1, $0x11  }
0xd0: {  	s0 =	sor.u32 s1, s0  }
0xd1: {  	s0 =	sadd.s32 $0x8F2B, s0  }
0xd2: {  	[sflag:s0] =	ssyncadd.remote.s32 $0x1  }
0xd3: {  	_ =	sfence.sel $0xFFFF  }
0xd4: {  	[dreg:$0x0] =	wrdreg $0xFFFFFFFF;
	(pc) =	sbr.abs _section_cstart, $3  }
0xd5: {  	[dreg:$0x1] =	wrdreg $0xFFFFFFFF  }
0xd6: {  	_ =	task.clear_ibuf [dreg:s22], $0x2FFFF;
	_ =	strace $0x9FFFFFFF  }
0xd7: {  	(tm) =	ssettm $0x7FFFFFFF  }
tec
execute0_lowered:
.L_overlay_start_1:
0x0: {  	(tag) =	ssettag $0x1  }
0x1: {  	s7 =	rddreg [dreg:$0x0]  }
0x2: {  	s2 =	rddreg [dreg:$0x1]  }
0x3: {  	s0 =	rddreg [dreg:$0x2]  }
0x4: {  	s1 =	srdreg.scid;
	_ =	strace $0x8000004D;
	s4 =	simm.s32 $0x1  }
0x5: {  	s9 =	simm.s32 $0x3;
	s12 =	simm.s32 $0x0;
	s5 =	sshll.u32 s1, $0x4  }
.Ltmp0:
0x6: {  	s1 =	stileid.u32;
	s5 =	sand.u32 $0x10, s5;
	(pc) =	sbr.rel .LBB2_1-.Ltmp0, $4  }
0x7: {  	s10 =	simm.s32 $0x0;
	s3 =	sadd.s32 $0xC2A00, s7;
	s6 =	sor.u32 s1, s5  }
0x8: {  	[sflag:s4] =	ssyncpa.u1 $0x0;
	s5 =	simm.s32 $0x2;
	s6 =	sshll.u32 s6, $0x6  }
0x9: {  	s7 =	sadd.s32 $0xE00, s7;
	[sflag:s5] =	ssyncpa.u1 $0x0;
	s8 =	sadd.s32 $0x40, s6  }
0xa: {  	vm0 =	vmmov $0xff;
	vm1 =	vcmask $0x3F20;
	[sflag:s9] =	ssyncpa.u1 $0x0;
	s9 =	simm.s32 $0x40;
	s11 =	smov.u32 s6  }
.LBB2_11:
0xb: {  	p0 =	seq.s32 s10, $0x2  }
.Ltmp1:
0xc: {  	_ = 	snop;
	(pc) =	sbr.rel @p0 .LBB2_13-.Ltmp1, $1  }
0xd: {  	_ =	sdelay $0x3  }
.LBB2_12:
0xe: {  	s12 =	sadd.s32 $0x40, s11  }
0xf: {  	s13 =	smov.u32 s6;
	p0 =	slt.s32 s12, s8  }
0x10: {  	s13 =	smov.u32 @p0 s12  }
0x11: {  	s10 =	sadd.s32 $0x1, s10;
	s12 =	smov.u32 s11;
	s11 =	smov.u32 s13  }
.LBB2_1:
0x12: {  	p0 =	sne.s32 s10, $0x0  }
.Ltmp2:
0x13: {  	_ = 	snop;
	(pc) =	sbr.rel @!p0 .LBB2_2-.Ltmp2, $1  }
0x14: {  	_ =	sdelay $0x3  }
0x15: {  	s13 =	sand.u32 $0x1, s10  }
0x16: {  	p0 =	seq.s32 s13, $0x0  }
.Ltmp3:
0x17: {  	_ = 	snop;
	(pc) =	sbr.rel @p0 .LBB2_11-.Ltmp3, $1  }
0x18: {  	_ =	sdelay $0x3  }
0x19: {  	_ =	swait.ge [sflag:s5], $0x40  }
0x1a: {  	[sflag:s5] =	ssyncset.done $0x0  }
0x1b: {  	s13 =	simm.s32 $0x0;
	s14 =	simm.s32 $0x80;
	[sflag:s5] =	ssyncadd.s32 $0xFFFFFFC0  }
.LBB2_5:
0x1c: {  	s15 =	sshll.u32 s13, $0x4  }
0x1d: {  	s15 =	sand.u32 $0x3FFFFFF0, s15  }
0x1e: {  	v0 =	vld.msk [tilespmem:s15+$0x40 ss:$0x1], $0xffff;
	_ =	sdelay $0x4  }
0x1f: {  	vm2 =	vgt.s32 v0, $0x0  }
0x20: {  	v0 =	vnsel vm2, $0x0, v0  }
0x21: {  	v0 =	vmin.u32 v0, $0x1FFF  }
0x22: {  	v1 =	vshrl.u32 v0, $0x3  }
0x23: {  	v0 =	vshll.u32 v0, $0x7;
	v1 =	vmul.u32 $0x1800, v1  }
0x24: {  	v0 =	vand.u32 $0x380, v0  }
0x25: {  	v0 =	vor.u32 v0, v1  }
0x26: {  	v0 =	vshrl.u32 v0, $0x3;
	_ =	sdelay $0x2  }
0x27: {  	s16 =	sadd.s32 $0xFFFFE800, s14  }
0x28: {  	s31 =	sadd.s32 $0xD800, s16;
	s16 =	sadd.s32 $0xF000, s16;
	s15 =	simm.s32 $0xFFFFB000  }
0x29: {  	v1 =	vadd.s32 $0x80, v0;
	[tilespmem:s31], [sflag:$0x1] =	stream.indirect_vreg.gather [hbm:s3], $0x80, v0, vm0, $0x38;
	[tilespmem:$0x18080] =	vst v63  }
.LBB2_6:
0x2a: {  	[tilespmem:s16], [sflag:$0x1] =	stream.indirect_vreg.gather [hbm:s3], $0x80, v0, vm1, $0x38;
	[tilespmem:$0x18080] =	vst v63  }
0x2b: {  	v0 =	vmov v1;
	p0 =	sne.s32 s15, $0xFFFFF000  }
.Ltmp4:
0x2c: {  	s16 =	sshra.s32 s15, $0x2;
	(pc) =	sbr.rel @p0 .LBB2_6-.Ltmp4, $4  }
0x2d: {  	s15 =	sadd.s32 $0x1000, s15;
	s16 =	sadd.s32 s16, s14  }
0x2e: {  	s17 =	sadd.s32 $0xD800, s16  }
0x2f: {  	[tilespmem:s17], [sflag:$0x1] =	stream.indirect_vreg.gather [hbm:s3], $0x80, v1, vm0, $0x38;
	[tilespmem:$0x18080] =	vst v63  }
0x30: {  	s16 =	sadd.s32 $0xF000, s16;
	v1 =	vadd.s32 $0x80, v1  }
0x31: {  	s13 =	sadd.s32 $0x1, s13  }
0x32: {  	p0 =	sne.s32 s13, $0x4  }
.Ltmp5:
0x33: {  	_ = 	snop;
	(pc) =	sbr.rel @p0 .LBB2_5-.Ltmp5, $3  }
0x34: {  	_ =	sdelay $0x1  }
0x35: {  	[tilespmem:s16], [sflag:$0x1] =	stream.indirect_vreg.gather [hbm:s3], $0x80, v0, vm1, $0x38;
	[tilespmem:$0x18080] =	vst v63  }
0x36: {  	s14 =	sadd.s32 $0x3000, s14  }
0x37: {  	s13 =	sshrl.u32 s12, $0x3  }
0x38: {  	s13 =	smul.u32 $0x300, s13  }
0x39: {  	_ =	swait.ge [sflag:s4], $0xC000;
	s31 =	sshll.u32 s12, $0x4  }
0x3a: {  	s14 =	simm.s32 $0x300;
	s12 =	sand.u32 $0x70, s31;
	s13 =	sadd.s32 s13, s2  }
0x3b: {  	s15 =	simm.s32 $0xD880;
	[sflag:s4] =	ssyncset.done $0x0;
	s12 =	sadd.s32 s12, s13  }
0x3c: {  	[sflag:s4] =	ssyncadd.s32 $0xFFFF4000;
	s13 =	simm.s32 $0xC080;
	s16 =	sadd.s32 $0x0, s12  }
.LBB2_9:
0x3d: {  	[hbm:s16] =	stream.linear.scatter [tilespmem:s13], [sflag:$0x3], $0x1800, $0x38;
	[tilespmem:$0x18080] =	vst v63  }
0x3e: {  	s16 =	smov.u32 s14;
	s13 =	smov.u32 s15;
	p0 =	sne.s32 s14, $0x1500  }
.Ltmp6:
0x3f: {  	s14 =	sadd.s32 $0x300, s14;
	(pc) =	sbr.rel @p0 .LBB2_9-.Ltmp6, $2  }
0x40: {  	_ =	sdelay $0x2  }
0x41: {  	s15 =	sadd.s32 $0x1800, s15;
	s16 =	sadd.s32 s16, s12  }
.Ltmp7:
0x42: {  	(pc) =	sbr.rel .LBB2_11-.Ltmp7, $2  }
0x43: {  	_ =	sdelay $0x2  }
0x44: {  	[hbm:s16] =	stream.linear.scatter [tilespmem:s13], [sflag:$0x3], $0x1800, $0x38;
	[tilespmem:$0x18080] =	vst v63  }
.LBB2_2:
.Ltmp8:
0x45: {  	(pc) =	sbr.rel .LBB2_12-.Ltmp8, $4  }
0x46: {  	_ = 	snop  }
0x47: {  	s12 =	sshrl.u32 s11, $0x3  }
0x48: {  	s13 =	sand.u32 $0x7, s11;
	s12 =	sadd.s32 s7, s12  }
0x49: {  	[tilespmem:s9], [sflag:$0x2] =	stream.linear.gather [hbm4b:s12+s13], $0x40, $0x38;
	[tilespmem:$0x18080] =	vst v63  }
.LBB2_13:
0x4a: {  	s2 =	simm.s32 $0x3  }
0x4b: {  	_ =	swait.ge [sflag:s2], $0xC000  }
0x4c: {  	[sflag:s2] =	ssyncset.done $0x0  }
0x4d: {  	[sflag:s2] =	ssyncadd.s32 $0xFFFF4000  }
0x4e: {  	_ =	sfence.sel $0x180000  }
0x4f: {  	s3 =	simm.s32 $0x2;
	[bflag:$0x0] =	sbarrier.arrive $0xFFFF  }
0x50: {  	[sflag:s3] =	ssyncpa.u1 $0x1  }
0x51: {  	s31 =	simm.s32 $0x1;
	[sflag:s2] =	ssyncpa.u1 $0x1  }
0x52: {  	[sflag:s31] =	ssyncpa.u1 $0x1  }
0x53: {  	p0 =	sne.s32 s1, $0x0;
	_ =	strace $0x9000004D  }
0x54: {  	s0 =	sadd.s32 @!p0 $0x100000, s0;
	[bflag:$0x2] =	sbarrier.arrive $0xFFFF  }
0x55: {  	[sflag:s0] =	ssyncadd.tile.s32 @!p0 $0x1;
	_ =	shalt  }
.Lfunc_end2:
_tile_overlayer_lowered:
.L_overlay_start_2:
0x56: {  	(tag) =	ssettag $0x2  }
0x57: {  	s0 =	rddreg [dreg:$0x0];
	s2 =	stileid.u32  }
0x58: {  	s1 =	rddreg [dreg:$0x1];
	p0 =	sne.s32 s2, $0x0  }
0x59: {  	s3 =	rddreg [dreg:$0x2];
	[bflag:$0x3] =	sbarrier.arrive $0xFFFF;
	s2 =	simm.s32 @!p0 $0x1C01  }
0x5a: {  	[timem:s3], [sflag:s2] =	dma.local @!p0 [hbm:s0], s1  }
0x5b: {  	s0 =	simm.s32 @!p0 $0x1  }
0x5c: {  	_ =	swait.ge @!p0 [sflag:s0], s1  }
0x5d: {  	s1 =	ssub.s32 @!p0 $0x0, s1;
	[sflag:s0] =	ssyncset.done @!p0 $0x0  }
0x5e: {  	[sflag:s0] =	ssyncadd.s32 @!p0 s1  }
0x5f: {  	[bflag:$0x3] =	sbarrier.arrive $0xFFFF  }
0x60: {  	_ =	shalt  }

// kernel: kernel.4.cloned.1.call-start
scs
__scs_entry_jumppad:
0x0: {  	(pc) =	sbr.rel $0x88, $3  }
0x1: {  	(tag) =	ssettag $0x0;
	lr =	simm.s32 $0x1  }
0x2: {  	[smem:$0x3F9C] =	sst lr;
	_ =	strace $0xD0000000  }
0x3: {  	_ = 	snop  }
0x4: {  	_ = 	snop  }
0x5: {  	_ = 	snop  }
0x6: {  	_ = 	snop  }
0x7: {  	_ = 	snop  }
__scs_overlays_trampoline_lowered:
0x8: {  	[smem:$0x3FAB] =	sst s0  }
0x9: {  	[smem:$0x3FAC] =	sst s1  }
0xa: {  	[smem:$0x3FAD] =	sst s2  }
0xb: {  	[smem:$0x3FAE] =	sst s3  }
0xc: {  	[smem:$0x3FAF] =	sst s4  }
0xd: {  	[smem:$0x3FB0] =	sst s5  }
0xe: {  	[smem:$0x3FB1] =	sst s6  }
0xf: {  	[smem:$0x3FB2] =	sst s7  }
0x10: {  	[smem:$0x3FB3] =	sst s8  }
0x11: {  	[smem:$0x3FB4] =	sst s9;
	s0 =	simm.s32 @!p0 $0x0  }
0x12: {  	s1 =	sld [smem:$0x3F9A];
	s0 =	simm.s32 @p0 $0x1  }
0x13: {  	[smem:$0x3FB5] =	sst s0;
	s0 =	simm.s32 @!p1 $0x0  }
0x14: {  	s2 =	sld [smem:$0x3F99];
	s0 =	simm.s32 @p1 $0x1  }
0x15: {  	[smem:$0x3FB6] =	sst s0;
	s0 =	simm.s32 @!p2 $0x0  }
0x16: {  	s3 =	sld [smem:$0x3FDB];
	s0 =	simm.s32 @p2 $0x1  }
0x17: {  	s4 =	simm.s32 $0x1BF5;
	[smem:$0x3FB8] =	sst s0  }
0x18: {  	s0 =	sld [smem:$0x3F9B];
	_ =	swait.ge [sflag:s4], $0x0  }
0x19: {  	s7 =	sld [smem:$0x3F9C]  }
0x1a: {  	s8 =	sadd.s32 $0xFFFFE003, lr  }
0x1b: {  	s9 =	sadd.s32 $0xFFFFFEF7, lr;
	s5 =	simm.s32 $0xFFFFFFFF;
	p2 =	slt.u32 s8, $0xFFFFF086  }
0x1c: {  	p1 =	slt.u32 s9, $0xF7A;
	s5 =	simm.s32 @!p2 $0x0  }
0x1d: {  	s5 =	simm.s32 @p1 $0x1;
	p0 =	seq.s32 s7, s2  }
0x1e: {  	s7 =	smul.u32 @!p0 $0xF7A, s2;
	p2 =	seq.s32 @!p0 s5, $0x0  }
0x1f: {  	s9 =	smul.u32 $0xF7A, s1;
	s8 =	simm.s32 @!p0 $0x1BF5;
	p2 =	por !p2, p0  }
0x20: {  	[sflag:s8] =	ssyncset.s32 @!p0 $0xFFFFF086;
	s6 =	sadd.s32 @!p0 s3, s7;
	s7 =	simm.s32 @!p0 $0x108  }
0x21: {  	s3 =	sadd.s32 s3, s9;
	s6 =	sadd.s32 @!p0 $0x88, s6;
	s7 =	simm.s32 @p2 $0x1082  }
0x22: {  	[simem:s7], [sflag:s8] =	dma.local @!p0 [hbm:s6], $0xF7A  }
0x23: {  	s9 =	sor.u32 $0xD0000000, s2;
	s6 =	simm.s32 $0x108;
	_ =	swait.ge @!p0 [sflag:s8], $0x0  }
0x24: {  	s3 =	sadd.s32 $0x88, s3;
	s6 =	simm.s32 @!p1 $0x1082;
	[sflag:s4] =	ssyncset.s32 $0xFFFFF086  }
0x25: {  	[simem:s6], [sflag:s4] =	dma.local [hbm:s3], $0xF7A  }
0x26: {  	[smem:$0x3F9C] =	sst s1;
	(tag) =	ssettag s2;
	_ =	strace s9  }
0x27: {  	s1 =	sld [smem:$0x3FAC]  }
0x28: {  	s2 =	sld [smem:$0x3FAD]  }
0x29: {  	s4 =	sld [smem:$0x3FAF]  }
0x2a: {  	p0 =	seq.s32 s5, $0x0;
	s5 =	sld [smem:$0x3FB0]  }
0x2b: {  	s6 =	sld [smem:$0x3FB1]  }
0x2c: {  	s7 =	sld [smem:$0x3FB2]  }
0x2d: {  	s3 =	simm.s32 $0x108;
	s8 =	sld [smem:$0x3FB3]  }
0x2e: {  	s3 =	simm.s32 @!p0 $0x1082;
	s9 =	sld [smem:$0x3FB4]  }
0x2f: {  	lr =	sadd.s32 s0, s3;
	s0 =	sld [smem:$0x3FAB]  }
0x30: {  	s3 =	sld [smem:$0x3FAE]  }
0x31: {  	[smem:$0x3FB7] =	sst s10  }
0x32: {  	s10 =	sld [smem:$0x3FB5];
	_ =	sdelay $0x3  }
0x33: {  	p0 =	seq.s32 s10, $0x1;
	s10 =	sld [smem:$0x3FB7];
	_ =	sdelay $0x3  }
0x34: {  	[smem:$0x3FB7] =	sst s10  }
0x35: {  	s10 =	sld [smem:$0x3FB6];
	_ =	sdelay $0x3  }
0x36: {  	p1 =	seq.s32 s10, $0x1;
	s10 =	sld [smem:$0x3FB7];
	_ =	sdelay $0x3  }
0x37: {  	[smem:$0x3FB7] =	sst s10  }
0x38: {  	s10 =	sld [smem:$0x3FB8]  }
0x39: {  	_ = 	snop;
	(pc) =	sbr.ind lr, $3  }
0x3a: {  	_ = 	snop  }
0x3b: {  	_ = 	snop  }
0x3c: {  	p2 =	seq.s32 s10, $0x1;
	s10 =	sld [smem:$0x3FB7]  }
0x3d: {  	_ =	shalt  }
0x3e: {  	_ =	shalt  }
0x3f: {  	_ =	shalt  }
0x40: {  	_ =	shalt  }
0x41: {  	_ =	shalt  }
0x42: {  	_ =	shalt  }
0x43: {  	_ =	shalt  }
0x44: {  	_ =	shalt  }
0x45: {  	_ =	shalt  }
0x46: {  	_ =	shalt  }
0x47: {  	_ =	shalt  }
0x48: {  	_ =	shalt  }
0x49: {  	_ =	shalt  }
0x4a: {  	_ =	shalt  }
0x4b: {  	_ =	shalt  }
0x4c: {  	_ =	shalt  }
0x4d: {  	_ =	shalt  }
0x4e: {  	_ =	shalt  }
0x4f: {  	_ =	shalt  }
0x50: {  	_ =	shalt  }
0x51: {  	_ =	shalt  }
0x52: {  	_ =	shalt  }
0x53: {  	_ =	shalt  }
0x54: {  	_ =	shalt  }
0x55: {  	_ =	shalt  }
0x56: {  	_ =	shalt  }
0x57: {  	_ =	shalt  }
0x58: {  	_ =	shalt  }
0x59: {  	_ =	shalt  }
0x5a: {  	_ =	shalt  }
0x5b: {  	_ =	shalt  }
0x5c: {  	_ =	shalt  }
0x5d: {  	_ =	shalt  }
0x5e: {  	_ =	shalt  }
0x5f: {  	_ =	shalt  }
0x60: {  	_ =	shalt  }
0x61: {  	_ =	shalt  }
0x62: {  	_ =	shalt  }
0x63: {  	_ =	shalt  }
0x64: {  	_ =	shalt  }
0x65: {  	_ =	shalt  }
0x66: {  	_ =	shalt  }
0x67: {  	_ =	shalt  }
0x68: {  	_ =	shalt  }
0x69: {  	_ =	shalt  }
0x6a: {  	_ =	shalt  }
0x6b: {  	_ =	shalt  }
0x6c: {  	_ =	shalt  }
0x6d: {  	_ =	shalt  }
0x6e: {  	_ =	shalt  }
0x6f: {  	_ =	shalt  }
0x70: {  	_ =	shalt  }
0x71: {  	_ =	shalt  }
0x72: {  	_ =	shalt  }
0x73: {  	_ =	shalt  }
0x74: {  	_ =	shalt  }
0x75: {  	_ =	shalt  }
0x76: {  	_ =	shalt  }
0x77: {  	_ =	shalt  }
0x78: {  	_ =	shalt  }
0x79: {  	_ =	shalt  }
0x7a: {  	_ =	shalt  }
0x7b: {  	_ =	shalt  }
0x7c: {  	_ =	shalt  }
0x7d: {  	_ =	shalt  }
0x7e: {  	_ =	shalt  }
0x7f: {  	_ =	shalt  }
0x80: {  	_ =	shalt  }
0x81: {  	_ =	shalt  }
0x82: {  	_ =	shalt  }
0x83: {  	_ =	shalt  }
0x84: {  	_ =	shalt  }
0x85: {  	_ =	shalt  }
0x86: {  	_ =	shalt  }
0x87: {  	_ =	shalt  }
.Lfunc_end0:
.L_simem_size_0:
called_computation.2_lowered:
.L_overlay_start_0:
0x88: {  	s2 =	sld [smem:$0x3FD9]  }
0x89: {  	s3 =	sld [smem:$0x3FFE];
	_ =	sdelay $0x1  }
0x8a: {  	s1 =	srdreg.scid  }
0x8b: {  	s0 =	sand.u32 $0x1, s1  }
0x8c: {  	s14 =	sshll.u32 s0, $0xA;
	s2 =	sadd.s32 s3, s2  }
0x8d: {  	s2 =	sadd.s32 s2, s14  }
0x8e: {  	[smem:$0x3FC3] =	sst s2  }
0x8f: {  	_ = 	snop  }
0x90: {  	s2 =	sld [smem:$0x3FD0];
	_ =	sdelay $0x2  }
0x91: {  	s4 =	simm.s32 $0xB;
	s5 =	simm.s32 $0x10;
	s15 =	sld [smem:$0x3FC9]  }
0x92: {  	[smem:s5], [sflag:s4] =	dma.local [hbm:s2], $0x1  }
0x93: {  	_ =	swait.eq [sflag:s4], $0x1  }
0x94: {  	[sflag:s4] =	ssyncset.done $0x0  }
0x95: {  	[sflag:s4] =	ssyncadd.s32 $0xFFFFFFFF  }
0x96: {  	s16 =	sld [smem:$0x10];
	(tm) =	ssettm $0x1  }
0x97: {  	s17 =	sld [smem:$0x3FFB];
	_ =	sdelay $0x3  }
0x98: {  	_ =	strace s17  }
0x99: {  	s4 =	sld [smem:$0x3FFC];
	_ =	sdelay $0x3  }
0x9a: {  	_ =	strace s4  }
0x9b: {  	s4 =	sld [smem:$0x3FFD];
	_ =	sdelay $0x3  }
0x9c: {  	_ =	strace s4  }
0x9d: {  	_ =	strace $0x8FFFFFFF  }
0x9e: {  	s18 =	sld [smem:$0x3FDB];
	_ =	sdelay $0x1  }
0x9f: {  	s19 =	simm.s32 $_scs_section_size  }
0xa0: {  	s6 =	simm.s32 $_size__tile_overlayer_lowered;
	s7 =	simm.s32 $_tile_overlayer_lowered  }
0xa1: {  	s22 =	simm.s32 $0x1BFF;
	s21 =	sshll.u32 s7, $0x1;
	s4 =	sadd.s32 s19, s18  }
0xa2: {  	s8 =	simm.s32 $0x0;
	s20 =	sshll.u32 s6, $0x1;
	s6 =	sadd.s32 s21, s4  }
0xa3: {  	[timem:s8], [sflag:s22] =	dma.local [hbm:s6], s20  }
0xa4: {  	_ =	swait.ge [sflag:s22], s20  }
0xa5: {  	s5 =	ssub.s32 $0x0, s20;
	[sflag:s22] =	ssyncset.done $0x0  }
0xa6: {  	[sflag:s22] =	ssyncadd.s32 s5;
	_ =	sdelay $0x1  }
0xa7: {  	s23 =	simm.s32 $0x1B8B  }
0xa8: {  	_ =	swait.ge [sflag:s23], $0x1  }
0xa9: {  	[sflag:s23] =	ssyncset.done $0x0  }
0xaa: {  	s25 =	simm.s32 $0x1B8E;
	s24 =	sld [smem:$0x3FFE];
	[sflag:s23] =	ssyncadd.s32 $0xFFFFFFFF  }
0xab: {  	s26 =	simm.s32 $execute0_lowered;
	[smem:$0x3FD2] =	sst s25  }
0xac: {  	s6 =	sshll.u32 s26, $0x1;
	_ =	strace $0x80000046;
	[dreg:$0x1] =	wrdreg $0xFFFFFFFF  }
0xad: {  	s28 =	simm.s32 $_size_execute0_lowered;
	s4 =	sadd.s32 s4, s6;
	[dreg:$0x0] =	wrdreg $0x0  }
0xae: {  	s6 =	sshll.u32 s28, $0x1;
	[dreg:$0x2] =	wrdreg s4  }
0xaf: {  	[dreg:$0x3] =	wrdreg s6  }
0xb0: {  	[dreg:$0x4] =	wrdreg $0xC0  }
0xb1: {  	_ =	task [dreg:s8], $0x5FFFF  }
0xb2: {  	[dreg:$0x1] =	wrdreg $0xFFFFFFFF  }
0xb3: {  	[dreg:$0x0] =	wrdreg $0x60  }
0xb4: {  	[dreg:$0x2] =	wrdreg s15  }
0xb5: {  	[dreg:$0x3] =	wrdreg s16  }
0xb6: {  	[dreg:$0x4] =	wrdreg s24  }
0xb7: {  	[dreg:$0x5] =	wrdreg $0x9  }
0xb8: {  	_ =	task.clear_ibuf [dreg:s8], $0x6FFFF;
	_ =	strace $0x90000046  }
0xb9: {  	s29 =	simm.s32 $0x9;
	_ =	strace $0x80000048  }
0xba: {  	_ =	swait.ge [sflag:s29], $0x1  }
0xbb: {  	[sflag:s29] =	ssyncadd.s32 $0xFFFFFFFF  }
0xbc: {  	_ =	strace $0x90000048  }
0xbd: {  	_ =	sfence  }
0xbe: {  	s30 =	sld [smem:$0x0];
	_ =	sdelay $0x2  }
0xbf: {  	s31 =	sshll.u32 s1, $0xD;
	s1 =	sshrl.u32 s1, $0x2  }
0xc0: {  	s3 =	sand.u32 $0x4000, s31;
	s1 =	sadd.s32 s1, s30  }
0xc1: {  	s0 =	sor.u32 s3, s0;
	s1 =	sshll.u32 s1, $0x11  }
0xc2: {  	s0 =	sor.u32 s1, s0  }
0xc3: {  	s0 =	sadd.s32 $0x8F2B, s0  }
0xc4: {  	[sflag:s0] =	ssyncadd.remote.s32 $0x1  }
0xc5: {  	_ =	sfence.sel $0xFFFF  }
0xc6: {  	[dreg:$0x0] =	wrdreg $0xFFFFFFFF;
	(pc) =	sbr.abs _section_cstart, $3  }
0xc7: {  	[dreg:$0x1] =	wrdreg $0xFFFFFFFF  }
0xc8: {  	_ =	task.clear_ibuf [dreg:s8], $0x2FFFF;
	_ =	strace $0x9FFFFFFF  }
0xc9: {  	(tm) =	ssettm $0x7FFFFFFF  }
tec
execute0_lowered:
.L_overlay_start_1:
0x0: {  	(tag) =	ssettag $0x1  }
0x1: {  	s1 =	rddreg [dreg:$0x0]  }
0x2: {  	s0 =	srdreg.scid;
	s2 =	rddreg [dreg:$0x1]  }
0x3: {  	s3 =	stileid.u32;
	s5 =	rddreg [dreg:$0x2];
	s15 =	simm.s32 $0x900  }
0x4: {  	s16 =	simm.s32 $0x1100;
	s17 =	simm.s32 $0x1900;
	s18 =	simm.s32 $0x2100  }
0x5: {  	s19 =	simm.s32 $0x2900;
	s20 =	simm.s32 $0x3100;
	s21 =	simm.s32 $0x3900  }
0x6: {  	s28 =	simm.s32 $0x6900;
	s29 =	simm.s32 $0x7100;
	s30 =	simm.s32 $0x7900  }
0x7: {  	s31 =	simm.s32 $0x8100;
	s9 =	simm.s32 $0xA100;
	s10 =	simm.s32 $0xB100  }
0x8: {  	s11 =	simm.s32 $0xB900;
	s12 =	simm.s32 $0xC100;
	s0 =	sand.u32 $0x1, s0  }
0x9: {  	s13 =	simm.s32 $0x1;
	s3 =	sshll.u32 s3, $0x6;
	s4 =	sshll.u32 s0, $0x5  }
0xa: {  	s5 =	sadd.s32 $0x2A00, s5;
	s0 =	ssub.s32 $0x2, s0;
	s4 =	sor.u32 s4, s3  }
0xb: {  	s3 =	simm.s32 $0x0;
	s24 =	sshrl.u32 s0, $0x1;
	s6 =	smul.u32 $0x300, s4  }
0xc: {  	[smem:$0x7FF] =	sst s3;
	s7 =	smul.u32 $0x1800, s4;
	s2 =	sadd.s32 s2, s4  }
0xd: {  	s0 =	ssub.s32 s0, s24;
	s24 =	simm.s32 $0x5100;
	_ =	strace $0x80000047  }
0xe: {  	[dreg:$0x4] =	wrdreg s2;
	s8 =	smax.u32 s0, $0x1;
	s6 =	sadd.s32 s5, s6  }
0xf: {  	s22 =	sshrl.u32 s7, $0x3;
	[dreg:$0x8] =	wrdreg s6;
	s23 =	sadd.s32 $0x1800, s6  }
0x10: {  	s4 =	sadd.s32 s5, s22;
	s5 =	sadd.s32 $0x100, s1;
	s6 =	sadd.s32 $0x200, s1  }
0x11: {  	v2 =	vlaneseq.u32;
	s22 =	simm.s32 $0x4100;
	[dreg:$0x5] =	wrdreg s23;
	s25 =	sadd.s32 $0x3000, s4  }
0x12: {  	vm0 =	vmmov $0xffff;
	v1 =	vshrl.u32 v2, $0x3;
	s26 =	sadd.s32 $0x4800, s4;
	s23 =	simm.s32 $0x4900;
	[dreg:$0x6] =	wrdreg s25  }
0x13: {  	v0 =	vand.u32 $0x7, v2;
	v2 =	vor.u32 $0x8, v2;
	v1 =	vmul.u32 $0x8, v1;
	[dreg:$0x7] =	wrdreg s26;
	s25 =	simm.s32 $0x5900;
	s26 =	simm.s32 $0x6100  }
.LBB2_1:
0x14: {  	s14 =	rddreg [dreg:$0x4];
	s0 =	simm.s32 $0x5  }
0x15: {  	[tilespmem:s3], [sflag:$0x5] =	stream.linear.gather [hbm4b:s14+s3], $0x100, $0x38;
	[tilespmem:$0x18100] =	vst v63  }
0x16: {  	_ =	swait.ge [sflag:s0], $0x100  }
0x17: {  	[sflag:s0] =	ssyncset.done $0x0  }
0x18: {  	[sflag:s0] =	ssyncadd.s32 $0xFFFFFF00  }
0x19: {  	v3 =	vld [tilespmem:$0x0];
	_ =	sdelay $0x4  }
0x1a: {  	v4 =	vshrl.u32 v3, $0x3  }
0x1b: {  	v4 =	vmul.u32 $0x30, v4  }
0x1c: {  	v3 =	vand.u32 $0x7, v3  }
0x1d: {  	v3 =	vor.u32 v3, v4  }
0x1e: {  	v4 =	vperm.xlane v3, v0;
	_ =	sdelay $0x1  }
0x1f: {  	v4 =	vadd.s32 v1, v4;
	_ =	sdelay $0x3  }
0x20: {  	s2 =	simm.s32 $0x100;
	v3 =	vperm.xlane v3, v2  }
0x21: {  	[tilespmem:s2], [sflag:$0x1] =	stream.indirect_vreg.gather [hbm4b:s1+s3], $0x80, v4, vm0, $0xb8;
	[tilespmem:$0x18100] =	vst v63  }
0x22: {  	v3 =	vadd.s32 v1, v3  }
0x23: {  	[tilespmem:s15], [sflag:$0x1] =	stream.indirect_vreg.gather [hbm4b:s5+s3], $0x80, v4, vm0, $0xb8;
	[tilespmem:$0x18100] =	vst v63  }
0x24: {  	_ = 	snop  }
0x25: {  	[tilespmem:s16], [sflag:$0x1] =	stream.indirect_vreg.gather [hbm4b:s6+s3], $0x80, v4, vm0, $0xb8;
	[tilespmem:$0x18100] =	vst v63  }
0x26: {  	_ = 	snop  }
0x27: {  	[tilespmem:s17], [sflag:$0x1] =	stream.indirect_vreg.gather [hbm4b:s1+s3], $0x80, v3, vm0, $0xb8;
	[tilespmem:$0x18100] =	vst v63  }
0x28: {  	_ = 	snop  }
0x29: {  	[tilespmem:s18], [sflag:$0x1] =	stream.indirect_vreg.gather [hbm4b:s5+s3], $0x80, v3, vm0, $0xb8;
	[tilespmem:$0x18100] =	vst v63  }
0x2a: {  	_ = 	snop  }
0x2b: {  	[tilespmem:s19], [sflag:$0x1] =	stream.indirect_vreg.gather [hbm4b:s6+s3], $0x80, v3, vm0, $0xb8;
	[tilespmem:$0x18100] =	vst v63  }
0x2c: {  	v3 =	vld [tilespmem:$0x10];
	_ =	sdelay $0x4  }
0x2d: {  	v49 =	vshrl.u32 v3, $0x3  }
0x2e: {  	v4 =	vmul.u32 $0x30, v49  }
0x2f: {  	v3 =	vand.u32 $0x7, v3  }
0x30: {  	v3 =	vor.u32 v3, v4  }
0x31: {  	v4 =	vperm.xlane v3, v0;
	_ =	sdelay $0x1  }
0x32: {  	v4 =	vadd.s32 v1, v4;
	_ =	sdelay $0x3  }
0x33: {  	v3 =	vperm.xlane v3, v2  }
0x34: {  	[tilespmem:s20], [sflag:$0x1] =	stream.indirect_vreg.gather [hbm4b:s1+s3], $0x80, v4, vm0, $0xb8;
	[tilespmem:$0x18100] =	vst v63  }
0x35: {  	v3 =	vadd.s32 v1, v3  }
0x36: {  	[tilespmem:s21], [sflag:$0x1] =	stream.indirect_vreg.gather [hbm4b:s5+s3], $0x80, v4, vm0, $0xb8;
	[tilespmem:$0x18100] =	vst v63  }
0x37: {  	_ = 	snop  }
0x38: {  	[tilespmem:s22], [sflag:$0x1] =	stream.indirect_vreg.gather [hbm4b:s6+s3], $0x80, v4, vm0, $0xb8;
	[tilespmem:$0x18100] =	vst v63  }
0x39: {  	_ = 	snop  }
0x3a: {  	[tilespmem:s23], [sflag:$0x1] =	stream.indirect_vreg.gather [hbm4b:s1+s3], $0x80, v3, vm0, $0xb8;
	[tilespmem:$0x18100] =	vst v63  }
0x3b: {  	_ = 	snop  }
0x3c: {  	[tilespmem:s24], [sflag:$0x1] =	stream.indirect_vreg.gather [hbm4b:s5+s3], $0x80, v3, vm0, $0xb8;
	[tilespmem:$0x18100] =	vst v63  }
0x3d: {  	_ = 	snop  }
0x3e: {  	[tilespmem:s25], [sflag:$0x1] =	stream.indirect_vreg.gather [hbm4b:s6+s3], $0x80, v3, vm0, $0xb8;
	[tilespmem:$0x18100] =	vst v63  }
0x3f: {  	v3 =	vld [tilespmem:$0x20];
	_ =	sdelay $0x4  }
0x40: {  	v50 =	vshrl.u32 v3, $0x3  }
0x41: {  	v4 =	vmul.u32 $0x30, v50  }
0x42: {  	v3 =	vand.u32 $0x7, v3  }
0x43: {  	v3 =	vor.u32 v3, v4  }
0x44: {  	v4 =	vperm.xlane v3, v0;
	_ =	sdelay $0x1  }
0x45: {  	v4 =	vadd.s32 v1, v4;
	_ =	sdelay $0x3  }
0x46: {  	v3 =	vperm.xlane v3, v2  }
0x47: {  	[tilespmem:s26], [sflag:$0x1] =	stream.indirect_vreg.gather [hbm4b:s1+s3], $0x80, v4, vm0, $0xb8;
	[tilespmem:$0x18100] =	vst v63  }
0x48: {  	v3 =	vadd.s32 v1, v3  }
0x49: {  	[tilespmem:s28], [sflag:$0x1] =	stream.indirect_vreg.gather [hbm4b:s5+s3], $0x80, v4, vm0, $0xb8;
	[tilespmem:$0x18100] =	vst v63  }
0x4a: {  	_ = 	snop  }
0x4b: {  	[tilespmem:s29], [sflag:$0x1] =	stream.indirect_vreg.gather [hbm4b:s6+s3], $0x80, v4, vm0, $0xb8;
	[tilespmem:$0x18100] =	vst v63  }
0x4c: {  	_ = 	snop  }
0x4d: {  	[tilespmem:s30], [sflag:$0x1] =	stream.indirect_vreg.gather [hbm4b:s1+s3], $0x80, v3, vm0, $0xb8;
	[tilespmem:$0x18100] =	vst v63  }
0x4e: {  	_ = 	snop  }
0x4f: {  	[tilespmem:s31], [sflag:$0x1] =	stream.indirect_vreg.gather [hbm4b:s5+s3], $0x80, v3, vm0, $0xb8;
	[tilespmem:$0x18100] =	vst v63  }
0x50: {  	s2 =	simm.s32 $0x8900  }
0x51: {  	[tilespmem:s2], [sflag:$0x1] =	stream.indirect_vreg.gather [hbm4b:s6+s3], $0x80, v3, vm0, $0xb8;
	[tilespmem:$0x18100] =	vst v63  }
0x52: {  	v3 =	vld [tilespmem:$0x30];
	_ =	sdelay $0x4  }
0x53: {  	v51 =	vshrl.u32 v3, $0x3  }
0x54: {  	v4 =	vmul.u32 $0x30, v51  }
0x55: {  	v3 =	vand.u32 $0x7, v3  }
0x56: {  	v3 =	vor.u32 v3, v4  }
0x57: {  	v4 =	vperm.xlane v3, v0;
	_ =	sdelay $0x1  }
0x58: {  	v4 =	vadd.s32 v1, v4;
	_ =	sdelay $0x3  }
0x59: {  	s4 =	simm.s32 $0x9100;
	v3 =	vperm.xlane v3, v2  }
0x5a: {  	[tilespmem:s4], [sflag:$0x1] =	stream.indirect_vreg.gather [hbm4b:s1+s3], $0x80, v4, vm0, $0xb8;
	[tilespmem:$0x18100] =	vst v63  }
0x5b: {  	s7 =	simm.s32 $0x9900;
	v3 =	vadd.s32 v1, v3  }
0x5c: {  	[tilespmem:s7], [sflag:$0x1] =	stream.indirect_vreg.gather [hbm4b:s5+s3], $0x80, v4, vm0, $0xb8;
	[tilespmem:$0x18100] =	vst v63  }
0x5d: {  	_ = 	snop  }
0x5e: {  	[tilespmem:s9], [sflag:$0x1] =	stream.indirect_vreg.gather [hbm4b:s6+s3], $0x80, v4, vm0, $0xb8;
	[tilespmem:$0x18100] =	vst v63  }
0x5f: {  	s4 =	simm.s32 $0xA900  }
0x60: {  	[tilespmem:s4], [sflag:$0x1] =	stream.indirect_vreg.gather [hbm4b:s1+s3], $0x80, v3, vm0, $0xb8;
	[tilespmem:$0x18100] =	vst v63  }
0x61: {  	_ = 	snop  }
0x62: {  	[tilespmem:s10], [sflag:$0x1] =	stream.indirect_vreg.gather [hbm4b:s5+s3], $0x80, v3, vm0, $0xb8;
	[tilespmem:$0x18100] =	vst v63  }
0x63: {  	_ = 	snop  }
0x64: {  	[tilespmem:s11], [sflag:$0x1] =	stream.indirect_vreg.gather [hbm4b:s6+s3], $0x80, v3, vm0, $0xb8;
	[tilespmem:$0x18100] =	vst v63  }
0x65: {  	v3 =	vld [tilespmem:$0x40];
	_ =	sdelay $0x4  }
0x66: {  	v52 =	vshrl.u32 v3, $0x3  }
0x67: {  	v4 =	vmul.u32 $0x30, v52  }
0x68: {  	v3 =	vand.u32 $0x7, v3  }
0x69: {  	v3 =	vor.u32 v3, v4  }
0x6a: {  	v4 =	vperm.xlane v3, v0;
	_ =	sdelay $0x1  }
0x6b: {  	v4 =	vadd.s32 v1, v4;
	_ =	sdelay $0x3  }
0x6c: {  	v3 =	vperm.xlane v3, v2  }
0x6d: {  	[tilespmem:s12], [sflag:$0x2] =	stream.indirect_vreg.gather [hbm4b:s1+s3], $0x80, v4, vm0, $0xb8;
	[tilespmem:$0x18100] =	vst v63  }
0x6e: {  	s14 =	simm.s32 $0xC900;
	v3 =	vadd.s32 v1, v3  }
0x6f: {  	[tilespmem:s14], [sflag:$0x2] =	stream.indirect_vreg.gather [hbm4b:s5+s3], $0x80, v4, vm0, $0xb8;
	[tilespmem:$0x18100] =	vst v63  }
0x70: {  	s7 =	simm.s32 $0xD100  }
0x71: {  	[tilespmem:s7], [sflag:$0x2] =	stream.indirect_vreg.gather [hbm4b:s6+s3], $0x80, v4, vm0, $0xb8;
	[tilespmem:$0x18100] =	vst v63  }
0x72: {  	s14 =	simm.s32 $0xD900  }
0x73: {  	[tilespmem:s14], [sflag:$0x2] =	stream.indirect_vreg.gather [hbm4b:s1+s3], $0x80, v3, vm0, $0xb8;
	[tilespmem:$0x18100] =	vst v63  }
0x74: {  	s7 =	simm.s32 $0xE100  }
0x75: {  	[tilespmem:s7], [sflag:$0x2] =	stream.indirect_vreg.gather [hbm4b:s5+s3], $0x80, v3, vm0, $0xb8;
	[tilespmem:$0x18100] =	vst v63  }
0x76: {  	s14 =	simm.s32 $0xE900  }
0x77: {  	[tilespmem:s14], [sflag:$0x2] =	stream.indirect_vreg.gather [hbm4b:s6+s3], $0x80, v3, vm0, $0xb8;
	[tilespmem:$0x18100] =	vst v63  }
0x78: {  	v3 =	vld [tilespmem:$0x50];
	_ =	sdelay $0x4  }
0x79: {  	v53 =	vshrl.u32 v3, $0x3  }
0x7a: {  	v4 =	vmul.u32 $0x30, v53  }
0x7b: {  	v3 =	vand.u32 $0x7, v3  }
0x7c: {  	v3 =	vor.u32 v3, v4  }
0x7d: {  	v4 =	vperm.xlane v3, v0;
	_ =	sdelay $0x1  }
0x7e: {  	v4 =	vadd.s32 v1, v4;
	_ =	sdelay $0x3  }
0x7f: {  	s7 =	simm.s32 $0xF100;
	v3 =	vperm.xlane v3, v2  }
0x80: {  	[tilespmem:s7], [sflag:$0x2] =	stream.indirect_vreg.gather [hbm4b:s1+s3], $0x80, v4, vm0, $0xb8;
	[tilespmem:$0x18100] =	vst v63  }
0x81: {  	s14 =	simm.s32 $0xF900;
	v3 =	vadd.s32 v1, v3  }
0x82: {  	[tilespmem:s14], [sflag:$0x2] =	stream.indirect_vreg.gather [hbm4b:s5+s3], $0x80, v4, vm0, $0xb8;
	[tilespmem:$0x18100] =	vst v63  }
0x83: {  	s7 =	simm.s32 $0x10100  }
0x84: {  	[tilespmem:s7], [sflag:$0x2] =	stream.indirect_vreg.gather [hbm4b:s6+s3], $0x80, v4, vm0, $0xb8;
	[tilespmem:$0x18100] =	vst v63  }
0x85: {  	s14 =	simm.s32 $0x10900  }
0x86: {  	[tilespmem:s14], [sflag:$0x2] =	stream.indirect_vreg.gather [hbm4b:s1+s3], $0x80, v3, vm0, $0xb8;
	[tilespmem:$0x18100] =	vst v63  }
0x87: {  	s7 =	simm.s32 $0x11100  }
0x88: {  	[tilespmem:s7], [sflag:$0x2] =	stream.indirect_vreg.gather [hbm4b:s5+s3], $0x80, v3, vm0, $0xb8;
	[tilespmem:$0x18100] =	vst v63  }
0x89: {  	s14 =	simm.s32 $0x11900  }
0x8a: {  	[tilespmem:s14], [sflag:$0x2] =	stream.indirect_vreg.gather [hbm4b:s6+s3], $0x80, v3, vm0, $0xb8;
	[tilespmem:$0x18100] =	vst v63  }
0x8b: {  	v3 =	vld [tilespmem:$0x60];
	_ =	sdelay $0x4  }
0x8c: {  	v54 =	vshrl.u32 v3, $0x3  }
0x8d: {  	v4 =	vmul.u32 $0x30, v54  }
0x8e: {  	v3 =	vand.u32 $0x7, v3  }
0x8f: {  	v3 =	vor.u32 v3, v4  }
0x90: {  	v4 =	vperm.xlane v3, v0;
	_ =	sdelay $0x1  }
0x91: {  	v4 =	vadd.s32 v1, v4;
	_ =	sdelay $0x3  }
0x92: {  	s7 =	simm.s32 $0x12100;
	v3 =	vperm.xlane v3, v2  }
0x93: {  	[tilespmem:s7], [sflag:$0x2] =	stream.indirect_vreg.gather [hbm4b:s1+s3], $0x80, v4, vm0, $0xb8;
	[tilespmem:$0x18100] =	vst v63  }
0x94: {  	s14 =	simm.s32 $0x12900;
	v3 =	vadd.s32 v1, v3  }
0x95: {  	[tilespmem:s14], [sflag:$0x2] =	stream.indirect_vreg.gather [hbm4b:s5+s3], $0x80, v4, vm0, $0xb8;
	[tilespmem:$0x18100] =	vst v63  }
0x96: {  	s7 =	simm.s32 $0x13100  }
0x97: {  	[tilespmem:s7], [sflag:$0x2] =	stream.indirect_vreg.gather [hbm4b:s6+s3], $0x80, v4, vm0, $0xb8;
	[tilespmem:$0x18100] =	vst v63  }
0x98: {  	s14 =	simm.s32 $0x13900  }
0x99: {  	[tilespmem:s14], [sflag:$0x2] =	stream.indirect_vreg.gather [hbm4b:s1+s3], $0x80, v3, vm0, $0xb8;
	[tilespmem:$0x18100] =	vst v63  }
0x9a: {  	s7 =	simm.s32 $0x14100  }
0x9b: {  	[tilespmem:s7], [sflag:$0x2] =	stream.indirect_vreg.gather [hbm4b:s5+s3], $0x80, v3, vm0, $0xb8;
	[tilespmem:$0x18100] =	vst v63  }
0x9c: {  	s14 =	simm.s32 $0x14900  }
0x9d: {  	[tilespmem:s14], [sflag:$0x2] =	stream.indirect_vreg.gather [hbm4b:s6+s3], $0x80, v3, vm0, $0xb8;
	[tilespmem:$0x18100] =	vst v63  }
0x9e: {  	v3 =	vld [tilespmem:$0x70];
	_ =	sdelay $0x4  }
0x9f: {  	v55 =	vshrl.u32 v3, $0x3  }
0xa0: {  	v4 =	vmul.u32 $0x30, v55  }
0xa1: {  	v3 =	vand.u32 $0x7, v3  }
0xa2: {  	v3 =	vor.u32 v3, v4  }
0xa3: {  	v4 =	vperm.xlane v3, v0;
	_ =	sdelay $0x1  }
0xa4: {  	v4 =	vadd.s32 v1, v4;
	_ =	sdelay $0x3  }
0xa5: {  	s7 =	simm.s32 $0x15100;
	v3 =	vperm.xlane v3, v2  }
0xa6: {  	[tilespmem:s7], [sflag:$0x2] =	stream.indirect_vreg.gather [hbm4b:s1+s3], $0x80, v4, vm0, $0xb8;
	[tilespmem:$0x18100] =	vst v63  }
0xa7: {  	s14 =	simm.s32 $0x15900;
	v3 =	vadd.s32 v1, v3  }
0xa8: {  	[tilespmem:s14], [sflag:$0x2] =	stream.indirect_vreg.gather [hbm4b:s5+s3], $0x80, v4, vm0, $0xb8;
	[tilespmem:$0x18100] =	vst v63  }
0xa9: {  	s7 =	simm.s32 $0x16100  }
0xaa: {  	[tilespmem:s7], [sflag:$0x2] =	stream.indirect_vreg.gather [hbm4b:s6+s3], $0x80, v4, vm0, $0xb8;
	[tilespmem:$0x18100] =	vst v63  }
0xab: {  	s14 =	simm.s32 $0x16900  }
0xac: {  	[tilespmem:s14], [sflag:$0x2] =	stream.indirect_vreg.gather [hbm4b:s1+s3], $0x80, v3, vm0, $0xb8;
	[tilespmem:$0x18100] =	vst v63  }
0xad: {  	s7 =	simm.s32 $0x17100  }
0xae: {  	[tilespmem:s7], [sflag:$0x2] =	stream.indirect_vreg.gather [hbm4b:s5+s3], $0x80, v3, vm0, $0xb8;
	[tilespmem:$0x18100] =	vst v63  }
0xaf: {  	s14 =	simm.s32 $0x17900  }
0xb0: {  	[tilespmem:s14], [sflag:$0x2] =	stream.indirect_vreg.gather [hbm4b:s6+s3], $0x80, v3, vm0, $0xb8;
	[tilespmem:$0x18100] =	vst v63  }
0xb1: {  	_ =	swait.ge [sflag:s13], $0xC000  }
0xb2: {  	[sflag:s13] =	ssyncset.done $0x0  }
0xb3: {  	s7 =	simm.s32 $0x100;
	s0 =	rddreg [dreg:$0x8];
	[sflag:s13] =	ssyncadd.s32 $0xFFFF4000  }
0xb4: {  	[hbm4b:s0+s3] =	stream.linear.scatter [tilespmem:s7], [sflag:$0x3], $0xC000, $0x38;
	[tilespmem:$0x18100] =	vst v63  }
0xb5: {  	s0 =	simm.s32 $0x3  }
0xb6: {  	_ =	swait.ge [sflag:s0], $0xC000  }
0xb7: {  	[sflag:s0] =	ssyncset.done $0x0  }
0xb8: {  	[sflag:s0] =	ssyncadd.s32 $0xFFFF4000  }
0xb9: {  	v3 =	vld [tilespmem:$0x80];
	_ =	sdelay $0x4  }
0xba: {  	v56 =	vshrl.u32 v3, $0x3  }
0xbb: {  	v4 =	vmul.u32 $0x30, v56  }
0xbc: {  	v3 =	vand.u32 $0x7, v3  }
0xbd: {  	v3 =	vor.u32 v3, v4  }
0xbe: {  	v4 =	vperm.xlane v3, v0;
	_ =	sdelay $0x1  }
0xbf: {  	v4 =	vadd.s32 v1, v4;
	_ =	sdelay $0x3  }
0xc0: {  	v3 =	vperm.xlane v3, v2  }
0xc1: {  	[tilespmem:s7], [sflag:$0x1] =	stream.indirect_vreg.gather [hbm4b:s1+s3], $0x80, v4, vm0, $0xb8;
	[tilespmem:$0x18100] =	vst v63  }
0xc2: {  	v3 =	vadd.s32 v1, v3  }
0xc3: {  	[tilespmem:s15], [sflag:$0x1] =	stream.indirect_vreg.gather [hbm4b:s5+s3], $0x80, v4, vm0, $0xb8;
	[tilespmem:$0x18100] =	vst v63  }
0xc4: {  	_ = 	snop  }
0xc5: {  	[tilespmem:s16], [sflag:$0x1] =	stream.indirect_vreg.gather [hbm4b:s6+s3], $0x80, v4, vm0, $0xb8;
	[tilespmem:$0x18100] =	vst v63  }
0xc6: {  	_ = 	snop  }
0xc7: {  	[tilespmem:s17], [sflag:$0x1] =	stream.indirect_vreg.gather [hbm4b:s1+s3], $0x80, v3, vm0, $0xb8;
	[tilespmem:$0x18100] =	vst v63  }
0xc8: {  	_ = 	snop  }
0xc9: {  	[tilespmem:s18], [sflag:$0x1] =	stream.indirect_vreg.gather [hbm4b:s5+s3], $0x80, v3, vm0, $0xb8;
	[tilespmem:$0x18100] =	vst v63  }
0xca: {  	_ = 	snop  }
0xcb: {  	[tilespmem:s19], [sflag:$0x1] =	stream.indirect_vreg.gather [hbm4b:s6+s3], $0x80, v3, vm0, $0xb8;
	[tilespmem:$0x18100] =	vst v63  }
0xcc: {  	v3 =	vld [tilespmem:$0x90];
	_ =	sdelay $0x4  }
0xcd: {  	v57 =	vshrl.u32 v3, $0x3  }
0xce: {  	v4 =	vmul.u32 $0x30, v57  }
0xcf: {  	v3 =	vand.u32 $0x7, v3  }
0xd0: {  	v3 =	vor.u32 v3, v4  }
0xd1: {  	v4 =	vperm.xlane v3, v0;
	_ =	sdelay $0x1  }
0xd2: {  	v4 =	vadd.s32 v1, v4;
	_ =	sdelay $0x3  }
0xd3: {  	v3 =	vperm.xlane v3, v2  }
0xd4: {  	[tilespmem:s20], [sflag:$0x1] =	stream.indirect_vreg.gather [hbm4b:s1+s3], $0x80, v4, vm0, $0xb8;
	[tilespmem:$0x18100] =	vst v63  }
0xd5: {  	v3 =	vadd.s32 v1, v3  }
0xd6: {  	[tilespmem:s21], [sflag:$0x1] =	stream.indirect_vreg.gather [hbm4b:s5+s3], $0x80, v4, vm0, $0xb8;
	[tilespmem:$0x18100] =	vst v63  }
0xd7: {  	_ = 	snop  }
0xd8: {  	[tilespmem:s22], [sflag:$0x1] =	stream.indirect_vreg.gather [hbm4b:s6+s3], $0x80, v4, vm0, $0xb8;
	[tilespmem:$0x18100] =	vst v63  }
0xd9: {  	_ = 	snop  }
0xda: {  	[tilespmem:s23], [sflag:$0x1] =	stream.indirect_vreg.gather [hbm4b:s1+s3], $0x80, v3, vm0, $0xb8;
	[tilespmem:$0x18100] =	vst v63  }
0xdb: {  	_ = 	snop  }
0xdc: {  	[tilespmem:s24], [sflag:$0x1] =	stream.indirect_vreg.gather [hbm4b:s5+s3], $0x80, v3, vm0, $0xb8;
	[tilespmem:$0x18100] =	vst v63  }
0xdd: {  	_ = 	snop  }
0xde: {  	[tilespmem:s25], [sflag:$0x1] =	stream.indirect_vreg.gather [hbm4b:s6+s3], $0x80, v3, vm0, $0xb8;
	[tilespmem:$0x18100] =	vst v63  }
0xdf: {  	v3 =	vld [tilespmem:$0xA0];
	_ =	sdelay $0x4  }
0xe0: {  	v58 =	vshrl.u32 v3, $0x3  }
0xe1: {  	v4 =	vmul.u32 $0x30, v58  }
0xe2: {  	v3 =	vand.u32 $0x7, v3  }
0xe3: {  	v3 =	vor.u32 v3, v4  }
0xe4: {  	v4 =	vperm.xlane v3, v0;
	_ =	sdelay $0x1  }
0xe5: {  	v4 =	vadd.s32 v1, v4;
	_ =	sdelay $0x3  }
0xe6: {  	v3 =	vperm.xlane v3, v2  }
0xe7: {  	[tilespmem:s26], [sflag:$0x1] =	stream.indirect_vreg.gather [hbm4b:s1+s3], $0x80, v4, vm0, $0xb8;
	[tilespmem:$0x18100] =	vst v63  }
0xe8: {  	v3 =	vadd.s32 v1, v3  }
0xe9: {  	[tilespmem:s28], [sflag:$0x1] =	stream.indirect_vreg.gather [hbm4b:s5+s3], $0x80, v4, vm0, $0xb8;
	[tilespmem:$0x18100] =	vst v63  }
0xea: {  	_ = 	snop  }
0xeb: {  	[tilespmem:s29], [sflag:$0x1] =	stream.indirect_vreg.gather [hbm4b:s6+s3], $0x80, v4, vm0, $0xb8;
	[tilespmem:$0x18100] =	vst v63  }
0xec: {  	_ = 	snop  }
0xed: {  	[tilespmem:s30], [sflag:$0x1] =	stream.indirect_vreg.gather [hbm4b:s1+s3], $0x80, v3, vm0, $0xb8;
	[tilespmem:$0x18100] =	vst v63  }
0xee: {  	_ = 	snop  }
0xef: {  	[tilespmem:s31], [sflag:$0x1] =	stream.indirect_vreg.gather [hbm4b:s5+s3], $0x80, v3, vm0, $0xb8;
	[tilespmem:$0x18100] =	vst v63  }
0xf0: {  	_ = 	snop  }
0xf1: {  	[tilespmem:s2], [sflag:$0x1] =	stream.indirect_vreg.gather [hbm4b:s6+s3], $0x80, v3, vm0, $0xb8;
	[tilespmem:$0x18100] =	vst v63  }
0xf2: {  	v3 =	vld [tilespmem:$0xB0];
	_ =	sdelay $0x4  }
0xf3: {  	v59 =	vshrl.u32 v3, $0x3  }
0xf4: {  	v4 =	vmul.u32 $0x30, v59  }
0xf5: {  	v3 =	vand.u32 $0x7, v3  }
0xf6: {  	v3 =	vor.u32 v3, v4  }
0xf7: {  	v4 =	vperm.xlane v3, v0;
	_ =	sdelay $0x1  }
0xf8: {  	v4 =	vadd.s32 v1, v4;
	_ =	sdelay $0x3  }
0xf9: {  	s7 =	simm.s32 $0x9100;
	v3 =	vperm.xlane v3, v2  }
0xfa: {  	[tilespmem:s7], [sflag:$0x1] =	stream.indirect_vreg.gather [hbm4b:s1+s3], $0x80, v4, vm0, $0xb8;
	[tilespmem:$0x18100] =	vst v63  }
0xfb: {  	s14 =	simm.s32 $0x9900;
	v3 =	vadd.s32 v1, v3  }
0xfc: {  	[tilespmem:s14], [sflag:$0x1] =	stream.indirect_vreg.gather [hbm4b:s5+s3], $0x80, v4, vm0, $0xb8;
	[tilespmem:$0x18100] =	vst v63  }
0xfd: {  	_ = 	snop  }
0xfe: {  	[tilespmem:s9], [sflag:$0x1] =	stream.indirect_vreg.gather [hbm4b:s6+s3], $0x80, v4, vm0, $0xb8;
	[tilespmem:$0x18100] =	vst v63  }
0xff: {  	_ = 	snop  }
0x100: {  	[tilespmem:s4], [sflag:$0x1] =	stream.indirect_vreg.gather [hbm4b:s1+s3], $0x80, v3, vm0, $0xb8;
	[tilespmem:$0x18100] =	vst v63  }
0x101: {  	_ = 	snop  }
0x102: {  	[tilespmem:s10], [sflag:$0x1] =	stream.indirect_vreg.gather [hbm4b:s5+s3], $0x80, v3, vm0, $0xb8;
	[tilespmem:$0x18100] =	vst v63  }
0x103: {  	s2 =	simm.s32 $0x2  }
0x104: {  	[tilespmem:s11], [sflag:$0x1] =	stream.indirect_vreg.gather [hbm4b:s6+s3], $0x80, v3, vm0, $0xb8;
	[tilespmem:$0x18100] =	vst v63  }
0x105: {  	_ =	swait.ge [sflag:s2], $0xC000  }
0x106: {  	[sflag:s2] =	ssyncset.done $0x0  }
0x107: {  	s4 =	simm.s32 $0x4;
	s7 =	rddreg [dreg:$0x5];
	[sflag:s2] =	ssyncadd.s32 $0xFFFF4000  }
0x108: {  	[hbm4b:s7+s3] =	stream.linear.scatter [tilespmem:s12], [sflag:$0x4], $0xC000, $0x38;
	[tilespmem:$0x18100] =	vst v63  }
0x109: {  	_ =	swait.ge [sflag:s4], $0xC000  }
0x10a: {  	[sflag:s4] =	ssyncset.done $0x0  }
0x10b: {  	[sflag:s4] =	ssyncadd.s32 $0xFFFF4000  }
0x10c: {  	v3 =	vld [tilespmem:$0xC0];
	_ =	sdelay $0x4  }
0x10d: {  	v60 =	vshrl.u32 v3, $0x3  }
0x10e: {  	v4 =	vmul.u32 $0x30, v60  }
0x10f: {  	v3 =	vand.u32 $0x7, v3  }
0x110: {  	v3 =	vor.u32 v3, v4  }
0x111: {  	v4 =	vperm.xlane v3, v0;
	_ =	sdelay $0x1  }
0x112: {  	v4 =	vadd.s32 v1, v4;
	_ =	sdelay $0x3  }
0x113: {  	v3 =	vperm.xlane v3, v2  }
0x114: {  	[tilespmem:s12], [sflag:$0x2] =	stream.indirect_vreg.gather [hbm4b:s1+s3], $0x80, v4, vm0, $0xb8;
	[tilespmem:$0x18100] =	vst v63  }
0x115: {  	s14 =	simm.s32 $0xC900;
	v3 =	vadd.s32 v1, v3  }
0x116: {  	[tilespmem:s14], [sflag:$0x2] =	stream.indirect_vreg.gather [hbm4b:s5+s3], $0x80, v4, vm0, $0xb8;
	[tilespmem:$0x18100] =	vst v63  }
0x117: {  	s14 =	simm.s32 $0xD100  }
0x118: {  	[tilespmem:s14], [sflag:$0x2] =	stream.indirect_vreg.gather [hbm4b:s6+s3], $0x80, v4, vm0, $0xb8;
	[tilespmem:$0x18100] =	vst v63  }
0x119: {  	s14 =	simm.s32 $0xD900  }
0x11a: {  	[tilespmem:s14], [sflag:$0x2] =	stream.indirect_vreg.gather [hbm4b:s1+s3], $0x80, v3, vm0, $0xb8;
	[tilespmem:$0x18100] =	vst v63  }
0x11b: {  	s14 =	simm.s32 $0xE100  }
0x11c: {  	[tilespmem:s14], [sflag:$0x2] =	stream.indirect_vreg.gather [hbm4b:s5+s3], $0x80, v3, vm0, $0xb8;
	[tilespmem:$0x18100] =	vst v63  }
0x11d: {  	s14 =	simm.s32 $0xE900  }
0x11e: {  	[tilespmem:s14], [sflag:$0x2] =	stream.indirect_vreg.gather [hbm4b:s6+s3], $0x80, v3, vm0, $0xb8;
	[tilespmem:$0x18100] =	vst v63  }
0x11f: {  	v3 =	vld [tilespmem:$0xD0];
	_ =	sdelay $0x4  }
0x120: {  	v61 =	vshrl.u32 v3, $0x3  }
0x121: {  	v4 =	vmul.u32 $0x30, v61  }
0x122: {  	v3 =	vand.u32 $0x7, v3  }
0x123: {  	v3 =	vor.u32 v3, v4  }
0x124: {  	v4 =	vperm.xlane v3, v0;
	_ =	sdelay $0x1  }
0x125: {  	v4 =	vadd.s32 v1, v4;
	_ =	sdelay $0x3  }
0x126: {  	s14 =	simm.s32 $0xF100;
	v3 =	vperm.xlane v3, v2  }
0x127: {  	[tilespmem:s14], [sflag:$0x2] =	stream.indirect_vreg.gather [hbm4b:s1+s3], $0x80, v4, vm0, $0xb8;
	[tilespmem:$0x18100] =	vst v63  }
0x128: {  	v3 =	vadd.s32 v1, v3;
	s14 =	simm.s32 $0xF900  }
0x129: {  	[tilespmem:s14], [sflag:$0x2] =	stream.indirect_vreg.gather [hbm4b:s5+s3], $0x80, v4, vm0, $0xb8;
	[tilespmem:$0x18100] =	vst v63  }
0x12a: {  	s14 =	simm.s32 $0x10100  }
0x12b: {  	[tilespmem:s14], [sflag:$0x2] =	stream.indirect_vreg.gather [hbm4b:s6+s3], $0x80, v4, vm0, $0xb8;
	[tilespmem:$0x18100] =	vst v63  }
0x12c: {  	s14 =	simm.s32 $0x10900  }
0x12d: {  	[tilespmem:s14], [sflag:$0x2] =	stream.indirect_vreg.gather [hbm4b:s1+s3], $0x80, v3, vm0, $0xb8;
	[tilespmem:$0x18100] =	vst v63  }
0x12e: {  	s14 =	simm.s32 $0x11100  }
0x12f: {  	[tilespmem:s14], [sflag:$0x2] =	stream.indirect_vreg.gather [hbm4b:s5+s3], $0x80, v3, vm0, $0xb8;
	[tilespmem:$0x18100] =	vst v63  }
0x130: {  	s14 =	simm.s32 $0x11900  }
0x131: {  	[tilespmem:s14], [sflag:$0x2] =	stream.indirect_vreg.gather [hbm4b:s6+s3], $0x80, v3, vm0, $0xb8;
	[tilespmem:$0x18100] =	vst v63  }
0x132: {  	v3 =	vld [tilespmem:$0xE0];
	_ =	sdelay $0x4  }
0x133: {  	v62 =	vshrl.u32 v3, $0x3  }
0x134: {  	v4 =	vmul.u32 $0x30, v62  }
0x135: {  	v3 =	vand.u32 $0x7, v3  }
0x136: {  	v3 =	vor.u32 v3, v4  }
0x137: {  	v4 =	vperm.xlane v3, v0;
	_ =	sdelay $0x1  }
0x138: {  	v4 =	vadd.s32 v1, v4;
	_ =	sdelay $0x3  }
0x139: {  	s14 =	simm.s32 $0x12100;
	v3 =	vperm.xlane v3, v2  }
0x13a: {  	[tilespmem:s14], [sflag:$0x2] =	stream.indirect_vreg.gather [hbm4b:s1+s3], $0x80, v4, vm0, $0xb8;
	[tilespmem:$0x18100] =	vst v63  }
0x13b: {  	v3 =	vadd.s32 v1, v3;
	s14 =	simm.s32 $0x12900  }
0x13c: {  	[tilespmem:s14], [sflag:$0x2] =	stream.indirect_vreg.gather [hbm4b:s5+s3], $0x80, v4, vm0, $0xb8;
	[tilespmem:$0x18100] =	vst v63  }
0x13d: {  	s14 =	simm.s32 $0x13100  }
0x13e: {  	[tilespmem:s14], [sflag:$0x2] =	stream.indirect_vreg.gather [hbm4b:s6+s3], $0x80, v4, vm0, $0xb8;
	[tilespmem:$0x18100] =	vst v63  }
0x13f: {  	s14 =	simm.s32 $0x13900  }
0x140: {  	[tilespmem:s14], [sflag:$0x2] =	stream.indirect_vreg.gather [hbm4b:s1+s3], $0x80, v3, vm0, $0xb8;
	[tilespmem:$0x18100] =	vst v63  }
0x141: {  	s14 =	simm.s32 $0x14100  }
0x142: {  	[tilespmem:s14], [sflag:$0x2] =	stream.indirect_vreg.gather [hbm4b:s5+s3], $0x80, v3, vm0, $0xb8;
	[tilespmem:$0x18100] =	vst v63  }
0x143: {  	s14 =	simm.s32 $0x14900  }
0x144: {  	[tilespmem:s14], [sflag:$0x2] =	stream.indirect_vreg.gather [hbm4b:s6+s3], $0x80, v3, vm0, $0xb8;
	[tilespmem:$0x18100] =	vst v63  }
0x145: {  	v3 =	vld [tilespmem:$0xF0];
	_ =	sdelay $0x4  }
0x146: {  	v63 =	vshrl.u32 v3, $0x3  }
0x147: {  	v4 =	vmul.u32 $0x30, v63  }
0x148: {  	v3 =	vand.u32 $0x7, v3  }
0x149: {  	v3 =	vor.u32 v3, v4  }
0x14a: {  	v4 =	vperm.xlane v3, v0;
	_ =	sdelay $0x1  }
0x14b: {  	v4 =	vadd.s32 v1, v4;
	_ =	sdelay $0x3  }
0x14c: {  	s14 =	simm.s32 $0x15100;
	v3 =	vperm.xlane v3, v2  }
0x14d: {  	[tilespmem:s14], [sflag:$0x2] =	stream.indirect_vreg.gather [hbm4b:s1+s3], $0x80, v4, vm0, $0xb8;
	[tilespmem:$0x18100] =	vst v63  }
0x14e: {  	v3 =	vadd.s32 v1, v3;
	s14 =	simm.s32 $0x15900  }
0x14f: {  	[tilespmem:s14], [sflag:$0x2] =	stream.indirect_vreg.gather [hbm4b:s5+s3], $0x80, v4, vm0, $0xb8;
	[tilespmem:$0x18100] =	vst v63  }
0x150: {  	s14 =	simm.s32 $0x16100  }
0x151: {  	[tilespmem:s14], [sflag:$0x2] =	stream.indirect_vreg.gather [hbm4b:s6+s3], $0x80, v4, vm0, $0xb8;
	[tilespmem:$0x18100] =	vst v63  }
0x152: {  	s14 =	simm.s32 $0x16900  }
0x153: {  	[tilespmem:s14], [sflag:$0x2] =	stream.indirect_vreg.gather [hbm4b:s1+s3], $0x80, v3, vm0, $0xb8;
	[tilespmem:$0x18100] =	vst v63  }
0x154: {  	s14 =	simm.s32 $0x17100  }
0x155: {  	[tilespmem:s14], [sflag:$0x2] =	stream.indirect_vreg.gather [hbm4b:s5+s3], $0x80, v3, vm0, $0xb8;
	[tilespmem:$0x18100] =	vst v63  }
0x156: {  	s14 =	simm.s32 $0x17900  }
0x157: {  	[tilespmem:s14], [sflag:$0x2] =	stream.indirect_vreg.gather [hbm4b:s6+s3], $0x80, v3, vm0, $0xb8;
	[tilespmem:$0x18100] =	vst v63  }
0x158: {  	_ =	swait.ge [sflag:s13], $0xC000  }
0x159: {  	[sflag:s13] =	ssyncset.done $0x0  }
0x15a: {  	s7 =	simm.s32 $0x100;
	s14 =	rddreg [dreg:$0x6];
	[sflag:s13] =	ssyncadd.s32 $0xFFFF4000  }
0x15b: {  	[hbm4b:s14+s3] =	stream.linear.scatter [tilespmem:s7], [sflag:$0x3], $0xC000, $0x38;
	[tilespmem:$0x18100] =	vst v63  }
0x15c: {  	_ =	swait.ge [sflag:s2], $0xC000  }
0x15d: {  	[sflag:s2] =	ssyncset.done $0x0  }
0x15e: {  	s7 =	rddreg [dreg:$0x7];
	[sflag:s2] =	ssyncadd.s32 $0xFFFF4000  }
0x15f: {  	[hbm4b:s7+s3] =	stream.linear.scatter [tilespmem:s12], [sflag:$0x4], $0xC000, $0x38;
	[tilespmem:$0x18100] =	vst v63  }
0x160: {  	p0 =	sne.s32 s8, $0x1;
	_ =	swait.ge [sflag:s0], $0xC000  }
.Ltmp0:
0x161: {  	[sflag:s0] =	ssyncset.done $0x0;
	(pc) =	sbr.rel @p0 .LBB2_1-.Ltmp0, $4  }
0x162: {  	[sflag:s0] =	ssyncadd.s32 $0xFFFF4000  }
0x163: {  	_ =	swait.ge [sflag:s4], $0xC000  }
0x164: {  	[sflag:s4] =	ssyncset.done $0x0  }
0x165: {  	s8 =	sadd.s32 $0xFFFFFFFF, s8;
	[sflag:s4] =	ssyncadd.s32 $0xFFFF4000  }
0x166: {  	_ =	sfence.sel $0x180000  }
0x167: {  	[bflag:$0x0] =	sbarrier.arrive $0xFFFF  }
0x168: {  	_ =	strace $0x90000047  }
0x169: {  	s0 =	stileid.u32;
	[bflag:$0x2] =	sbarrier.arrive $0xFFFF  }
0x16a: {  	p0 =	sne.s32 s0, $0x0;
	s0 =	rddreg [dreg:$0x3]  }
0x16b: {  	s0 =	sadd.s32 @!p0 $0x100000, s0  }
0x16c: {  	[sflag:s0] =	ssyncadd.tile.s32 @!p0 $0x1;
	_ =	shalt  }
.Lfunc_end2:
_tile_overlayer_lowered:
.L_overlay_start_2:
0x16d: {  	(tag) =	ssettag $0x2  }
0x16e: {  	s0 =	rddreg [dreg:$0x0];
	s2 =	stileid.u32  }
0x16f: {  	s1 =	rddreg [dreg:$0x1];
	p0 =	sne.s32 s2, $0x0  }
0x170: {  	s3 =	rddreg [dreg:$0x2];
	[bflag:$0x3] =	sbarrier.arrive $0xFFFF;
	s2 =	simm.s32 @!p0 $0x1C05  }
0x171: {  	[timem:s3], [sflag:s2] =	dma.local @!p0 [hbm:s0], s1  }
0x172: {  	s0 =	simm.s32 @!p0 $0x5  }
0x173: {  	_ =	swait.ge @!p0 [sflag:s0], s1  }
0x174: {  	s1 =	ssub.s32 @!p0 $0x0, s1;
	[sflag:s0] =	ssyncset.done @!p0 $0x0  }
0x175: {  	[sflag:s0] =	ssyncadd.s32 @!p0 s1  }
0x176: {  	[bflag:$0x3] =	sbarrier.arrive $0xFFFF  }
0x177: {  	_ =	shalt  }

</sc_bundles>
